<compile_context>
chip_gen: v7x
topology: tpu7x:2x2x1
jax: 0.10.2.dev20260603
libtpu: 0.0.44.dev20260713+nightly
codegen_flags: <defaults>
</compile_context>

<pallas_src>
import functools

import jax
import jax.numpy as jnp
from jax import lax
from jax.experimental import pallas as pl
from jax.experimental.pallas import tpu as pltpu
from jax.experimental.pallas import tpu_sc as plsc

_L = 16
_PR = 6144
_NW = 32


def _make_kwinners(n_rt, C, RT):
  assert n_rt % (_NW * RT) == 0 and (n_rt // (_NW * RT)) % 2 == 0
  rt_w = n_rt // _NW
  n_chunks = rt_w // RT
  pix = RT * 8
  chunk = RT * _PR
  n_k = C // _L
  mesh = plsc.VectorSubcoreMesh(core_axis_name="c", subcore_axis_name="s")

  @functools.partial(
      pl.kernel,
      mesh=mesh,
      out_type=jax.ShapeDtypeStruct((n_rt * _PR,), jnp.float32),
      compiler_params=pltpu.CompilerParams(needs_layout_passes=False),
      scratch_types=[
          pltpu.VMEM((chunk,), jnp.float32),
          pltpu.VMEM((chunk,), jnp.float32),
          pltpu.VMEM((chunk,), jnp.float32),
          pltpu.VMEM((chunk,), jnp.float32),
          pltpu.SMEM((pix,), jnp.int32),
          pltpu.SMEM((pix,), jnp.int32),
          pltpu.SemaphoreType.DMA,
          pltpu.SemaphoreType.DMA,
          pltpu.SemaphoreType.DMA,
          pltpu.SemaphoreType.DMA,
      ],
  )
  def kw(x_hbm, o_hbm, ibuf_a, ibuf_b, obuf_a, obuf_b, wsl_a, wsl_b,
         rsem_a, rsem_b, wsem_a, wsem_b):
    wid = lax.axis_index("s") * 2 + lax.axis_index("c")
    base = wid * rt_w * _PR
    lane = lax.iota(jnp.int32, _L)
    neg_inf = jnp.full((_L,), -jnp.inf, jnp.float32)
    zero_f = jnp.zeros((_L,), jnp.float32)
    big_i = jnp.full((_L,), C, jnp.int32)
    idx_init = tuple(a * _L + lane for a in range(4))
    ibufs = (ibuf_a, ibuf_b)
    obufs = (obuf_a, obuf_b)
    wsls = (wsl_a, wsl_b)
    rsems = (rsem_a, rsem_b)
    wsems = (wsem_a, wsem_b)

    def rd(ci):
      return x_hbm.at[pl.ds(base + ci * chunk, chunk)]

    def wr(ci):
      return o_hbm.at[pl.ds(base + ci * chunk, chunk)]

    for ob in obufs:
      def zinit(j, _):
        ob[pl.ds(j * _L, _L)] = zero_f
        return 0

      lax.fori_loop(0, chunk // _L, zinit, 0)

    pltpu.async_copy(rd(0), ibuf_a, rsem_a)
    pltpu.async_copy(rd(1), ibuf_b, rsem_b)

    def chunk_body(g, _):
      for p in range(2):
        ci = 2 * g + p
        pltpu.make_async_copy(rd(ci), ibufs[p], rsems[p]).wait()
        ib = ibufs[p]
        ob = obufs[p]
        wsl = wsls[p]

        @pl.when(g > 0)
        def _():
          pltpu.make_async_copy(obufs[p], wr(ci - 2), wsems[p]).wait()

          def rz(q, _):
            ob[pl.ds(wsl[q], _L)] = zero_f
            return 0

          lax.fori_loop(0, pix, rz, 0)

        def pix_body(q, _):
          pb = (q >> 3) * _PR + (q & 7) * 128
          ms = [neg_inf] * 4
          is_ = list(idx_init)
          iv = list(idx_init)
          for kk in range(n_k):
            a = kk & 3
            v = ib[pl.ds(pb + (kk >> 3) * 1024 + (kk & 7) * _L, _L)]
            gt = v > ms[a]
            ms[a] = jnp.where(gt, v, ms[a])
            is_[a] = jnp.where(gt, iv[a], is_[a])
            if kk + 4 < n_k:
              iv[a] = iv[a] + 4 * _L
          def mrg(ma, ia, mb, ib2):
            t = (ma > mb) | ((ma == mb) & (ia < ib2))
            return jnp.where(t, ma, mb), jnp.where(t, ia, ib2)

          m0, i0 = mrg(ms[0], is_[0], ms[1], is_[1])
          m1, i1 = mrg(ms[2], is_[2], ms[3], is_[3])
          mv, ixv = mrg(m0, i0, m1, i1)
          mx = jnp.max(mv)
          wi = jnp.min(jnp.where(mv == mx, ixv, big_i))
          slot = pb + (wi >> 7) * 1024 + ((wi & 127) >> 4) * _L
          ob[pl.ds(slot, _L)] = jnp.where(
              lane == (wi & 15), mx, jnp.float32(0))
          wsl[q] = slot
          return 0

        lax.fori_loop(0, pix, pix_body, 0)
        pltpu.async_copy(ob, wr(ci), wsems[p])

        @pl.when(ci + 2 < n_chunks)
        def _():
          pltpu.async_copy(rd(ci + 2), ibufs[p], rsems[p])

      return 0

    lax.fori_loop(0, n_chunks // 2, chunk_body, 0)

    for p in range(2):
      pltpu.make_async_copy(obufs[p], wr(n_chunks - 2 + p), wsems[p]).wait()

  return kw


def kernel(x, k):
  B, C, H, W = x.shape
  n_rt = B * H * W // 8
  n_ct = C // 128
  xt = jnp.transpose(x, (0, 2, 3, 1))
  x4 = jnp.transpose(xt.reshape(n_rt, 8, n_ct, 128), (0, 2, 1, 3))
  xf = x4.reshape(n_rt * C * 8)
  of = _make_kwinners(n_rt, C, 4)(xf)
  o4 = of.reshape(n_rt, n_ct, 8, 128)
  ot = jnp.transpose(o4, (0, 2, 1, 3)).reshape(B, H, W, C)
  return jnp.transpose(ot, (0, 3, 1, 2))

# --- scband reference (transcript-rebuilt; emitter-appended) ---
"""Pipeline reference for scband-dendrite-kwinners2d-87454124081887 (READ-ONLY COPY).

The authoritative reference and input builder live on the scoring server;
editing this copy changes nothing except your own understanding.
"""

import jax, jax.numpy as jnp
import numpy as np


def setup_inputs(seed: int = 0) -> dict:
    key = jax.random.key(seed)
    x = jax.random.normal(key, (32, 768, 32, 32), dtype=jnp.float32)
    k = 1
    return {"x": x, "k": k}


def reference(x, k):
    # DendriteKWinners2dLocal.forward: topk along channel dim (dim=1),
    # keep winning values, zero everything else. Indices are computed on
    # detached activations (stop_gradient).
    xt = jnp.moveaxis(x, 1, -1)  # [B, H, W, C]
    C = xt.shape[-1]
    _, idx = jax.lax.top_k(jax.lax.stop_gradient(xt), 1)  # idx: [B, H, W, k]
    # Build a 0/1 mask of winning channels (scatter of gathered values == mask * x)
    mask = jax.nn.one_hot(idx, C, dtype=xt.dtype).sum(axis=-2)  # [B, H, W, C]
    mask = jnp.minimum(mask, jnp.asarray(k, dtype=xt.dtype))
    mask = jax.lax.stop_gradient(mask)
    res = xt * mask
    return jnp.moveaxis(res, -1, 1)  # back to [B, C, H, W]

if __name__ == "__main__":
    import jax
    _d = setup_inputs()
    print(jax.jit(kernel)(*tuple(_d.values())))

</pallas_src>

<mosaic_0001>
#map = affine_map<(d0, d1) -> (0)>
module attributes {stable_mosaic.version = 14 : i64} {
  func.func @kw(%arg0: i32, %arg1: i32, %arg2: memref<25165824xf32, #tpu.memory_space<hbm>>, %arg3: memref<25165824xf32, #tpu.memory_space<hbm>>, %arg4: memref<24576xf32, #tpu.memory_space<vmem>>, %arg5: memref<24576xf32, #tpu.memory_space<vmem>>, %arg6: memref<24576xf32, #tpu.memory_space<vmem>>, %arg7: memref<24576xf32, #tpu.memory_space<vmem>>, %arg8: memref<32xi32, #tpu.memory_space<smem>>, %arg9: memref<32xi32, #tpu.memory_space<smem>>, %arg10: memref<!tpu.dma_semaphore, #tpu.memory_space<semaphore_mem>>, %arg11: memref<!tpu.dma_semaphore, #tpu.memory_space<semaphore_mem>>, %arg12: memref<!tpu.dma_semaphore, #tpu.memory_space<semaphore_mem>>, %arg13: memref<!tpu.dma_semaphore, #tpu.memory_space<semaphore_mem>>) attributes {dimension_semantics = [#tpu.dimension_semantics<core_parallel>, #tpu.dimension_semantics<subcore_parallel>], iteration_bounds = array<i64: 2, 16>, scalar_prefetch = 0 : i64, scratch_operands = 10 : i64, tpu.core_type = #tpu.core_type<sc_vector_subcore>, window_params = [{transform_indices = #map}, {transform_indices = #map}]} {
    %mul3A = arith.constant 2 : i32
    %mul3A_0 = arith.muli %arg1, %mul3A : i32
    %add3A = arith.addi %mul3A_0, %arg0 : i32
    %mul3A_1 = arith.constant 128 : i32
    %mul3A_2 = arith.muli %add3A, %mul3A_1 : i32
    %mul3A_3 = arith.constant 6144 : i32
    %mul3A_4 = arith.muli %mul3A_2, %mul3A_3 : i32
    %iota3A = tpu.iota {dimensions = array<i32: 0>} : vector<16xi32>
    %broadcast_in_dim3A = arith.constant 0xFF800000 : f32
    %broadcast_in_dim3A_5 = vector.broadcast %broadcast_in_dim3A : f32 to vector<16xf32>
    %broadcast_in_dim3A_6 = arith.constant 0.000000e+00 : f32
    %broadcast_in_dim3A_7 = vector.broadcast %broadcast_in_dim3A_6 : f32 to vector<16xf32>
    %broadcast_in_dim3A_8 = arith.constant 768 : i32
    %broadcast_in_dim3A_9 = vector.broadcast %broadcast_in_dim3A_8 : i32 to vector<16xi32>
    %add3A_10 = arith.constant 0 : i32
    %add3A_11 = vector.broadcast %add3A_10 : i32 to vector<16xi32>
    %add3A_12 = arith.addi %add3A_11, %iota3A : vector<16xi32>
    %add3A_13 = arith.constant 16 : i32
    %add3A_14 = vector.broadcast %add3A_13 : i32 to vector<16xi32>
    %add3A_15 = arith.addi %add3A_14, %iota3A : vector<16xi32>
    %add3A_16 = arith.constant 32 : i32
    %add3A_17 = vector.broadcast %add3A_16 : i32 to vector<16xi32>
    %add3A_18 = arith.addi %add3A_17, %iota3A : vector<16xi32>
    %add3A_19 = arith.constant 48 : i32
    %add3A_20 = vector.broadcast %add3A_19 : i32 to vector<16xi32>
    %add3A_21 = arith.addi %add3A_20, %iota3A : vector<16xi32>
    %scan3A = arith.constant 0 : i32
    %scan3A_22 = arith.constant 0 : i32
    %scan3A_23 = arith.constant 1536 : i32
    %scan3A_24 = arith.addi %scan3A_22, %scan3A_23 : i32
    %scan3A_25 = arith.constant 1 : i32
    %scan3A_26 = scf.for %scan3A_56 = %scan3A_22 to %scan3A_24 step %scan3A_25 iter_args(%scan3A_57 = %scan3A) -> (i32)  : i32 {
      %mul3A_58 = arith.constant 16 : i32
      %mul3A_59 = arith.muli %scan3A_56, %mul3A_58 : i32
      %swap3A = arith.index_cast %mul3A_59 : i32 to index
      %swap3A_60 = tpu.vector_load %arg6[%swap3A] {strides = array<i32>} : memref<24576xf32, #tpu.memory_space<vmem>>, vector<16xf32>,
      tpu.vector_store %arg6[%swap3A], %broadcast_in_dim3A_7 {strides = array<i32>} : memref<24576xf32, #tpu.memory_space<vmem>>, vector<16xf32>,
      %scan3A_61 = arith.constant 0 : i32
      scf.yield %scan3A_61 : i32
    }
    %scan3A_27 = arith.constant 1536 : i32
    %scan3A_28 = arith.constant 0 : i32
    %scan3A_29 = arith.constant 0 : i32
    %scan3A_30 = arith.constant 1536 : i32
    %scan3A_31 = arith.addi %scan3A_29, %scan3A_30 : i32
    %scan3A_32 = arith.constant 1 : i32
    %scan3A_33 = scf.for %scan3A_56 = %scan3A_29 to %scan3A_31 step %scan3A_32 iter_args(%scan3A_57 = %scan3A_28) -> (i32)  : i32 {
      %mul3A_58 = arith.constant 16 : i32
      %mul3A_59 = arith.muli %scan3A_56, %mul3A_58 : i32
      %swap3A = arith.index_cast %mul3A_59 : i32 to index
      %swap3A_60 = tpu.vector_load %arg7[%swap3A] {strides = array<i32>} : memref<24576xf32, #tpu.memory_space<vmem>>, vector<16xf32>,
      tpu.vector_store %arg7[%swap3A], %broadcast_in_dim3A_7 {strides = array<i32>} : memref<24576xf32, #tpu.memory_space<vmem>>, vector<16xf32>,
      %scan3A_61 = arith.constant 0 : i32
      scf.yield %scan3A_61 : i32
    }
    %scan3A_34 = arith.constant 1536 : i32
    %add3A_35 = arith.constant 0 : i32
    %add3A_36 = arith.addi %mul3A_4, %add3A_35 : i32
    %dma_start3A = tpu.memref_slice %arg2[%add3A_36] : memref<25165824xf32, #tpu.memory_space<hbm>> -> memref<24576xf32, #tpu.memory_space<hbm>>
    %dma_start3A_37 = tpu.memref_slice %arg2[%add3A_36] : memref<25165824xf32, #tpu.memory_space<hbm>> -> memref<24576xf32, #tpu.memory_space<hbm>>
    tpu.enqueue_dma source(%dma_start3A_37 : memref<24576xf32, #tpu.memory_space<hbm>>) target(%arg4 : memref<24576xf32, #tpu.memory_space<vmem>>) target_semaphore(%arg10 : memref<!tpu.dma_semaphore, #tpu.memory_space<semaphore_mem>>)
    %add3A_38 = arith.constant 24576 : i32
    %add3A_39 = arith.addi %mul3A_4, %add3A_38 : i32
    %dma_start3A_40 = tpu.memref_slice %arg2[%add3A_39] : memref<25165824xf32, #tpu.memory_space<hbm>> -> memref<24576xf32, #tpu.memory_space<hbm>>
    %dma_start3A_41 = tpu.memref_slice %arg2[%add3A_39] : memref<25165824xf32, #tpu.memory_space<hbm>> -> memref<24576xf32, #tpu.memory_space<hbm>>
    tpu.enqueue_dma source(%dma_start3A_41 : memref<24576xf32, #tpu.memory_space<hbm>>) target(%arg5 : memref<24576xf32, #tpu.memory_space<vmem>>) target_semaphore(%arg11 : memref<!tpu.dma_semaphore, #tpu.memory_space<semaphore_mem>>)
    %scan3A_42 = arith.constant 0 : i32
    %scan3A_43 = arith.constant 0 : i32
    %scan3A_44 = arith.constant 16 : i32
    %scan3A_45 = arith.addi %scan3A_43, %scan3A_44 : i32
    %scan3A_46 = arith.constant 1 : i32
    %scan3A_47 = scf.for %scan3A_56 = %scan3A_43 to %scan3A_45 step %scan3A_46 iter_args(%scan3A_57 = %scan3A_42) -> (i32)  : i32 {
      %mul3A_58 = arith.constant 2 : i32
      %mul3A_59 = arith.muli %mul3A_58, %scan3A_56 : i32
      %add3A_60 = arith.constant 0 : i32
      %add3A_61 = arith.addi %mul3A_59, %add3A_60 : i32
      %mul3A_62 = arith.constant 24576 : i32
      %mul3A_63 = arith.muli %add3A_61, %mul3A_62 : i32
      %add3A_64 = arith.addi %mul3A_4, %mul3A_63 : i32
      %dma_wait3A_65 = tpu.memref_slice %arg2[%add3A_64] : memref<25165824xf32, #tpu.memory_space<hbm>> -> memref<24576xf32, #tpu.memory_space<hbm>>
      %dma_wait3A_66 = tpu.memref_slice %arg2[%add3A_64] : memref<25165824xf32, #tpu.memory_space<hbm>> -> memref<24576xf32, #tpu.memory_space<hbm>>
      tpu.wait_dma2 semaphore(%arg10 : memref<!tpu.dma_semaphore, #tpu.memory_space<semaphore_mem>>) src(%dma_wait3A_66 : memref<24576xf32, #tpu.memory_space<hbm>>) dst(%arg4 : memref<24576xf32, #tpu.memory_space<vmem>>)
      %gt3A = arith.constant 0 : i32
      %gt3A_67 = arith.cmpi sgt, %scan3A_56, %gt3A : i32
      %convert_element_type3A = arith.extui %gt3A_67 : i1 to i32
      %cond3A = arith.constant 0 : i32
      %cond3A_68 = arith.cmpi ne, %convert_element_type3A, %cond3A : i32
      scf.if %cond3A_68 {
        %sub3A = arith.constant 2 : i32
        %sub3A_121 = arith.subi %add3A_61, %sub3A : i32
        %mul3A_122 = arith.constant 24576 : i32
        %mul3A_123 = arith.muli %sub3A_121, %mul3A_122 : i32
        %add3A_124 = arith.addi %mul3A_4, %mul3A_123 : i32
        %dma_wait3A_125 = tpu.memref_slice %arg3[%add3A_124] : memref<25165824xf32, #tpu.memory_space<hbm>> -> memref<24576xf32, #tpu.memory_space<hbm>>
        %dma_wait3A_126 = tpu.memref_slice %arg3[%add3A_124] : memref<25165824xf32, #tpu.memory_space<hbm>> -> memref<24576xf32, #tpu.memory_space<hbm>>
        tpu.wait_dma2 semaphore(%arg12 : memref<!tpu.dma_semaphore, #tpu.memory_space<semaphore_mem>>) src(%arg6 : memref<24576xf32, #tpu.memory_space<vmem>>) dst(%dma_wait3A_126 : memref<24576xf32, #tpu.memory_space<hbm>>)
        %scan3A_127 = arith.constant 0 : i32
        %scan3A_128 = arith.constant 0 : i32
        %scan3A_129 = arith.constant 32 : i32
        %scan3A_130 = arith.addi %scan3A_128, %scan3A_129 : i32
        %scan3A_131 = arith.constant 1 : i32
        %scan3A_132 = scf.for %scan3A_134 = %scan3A_128 to %scan3A_130 step %scan3A_131 iter_args(%scan3A_135 = %scan3A_127) -> (i32)  : i32 {
          %get3A = arith.index_cast %scan3A_134 : i32 to index
          %get3A_136 = memref.load %arg8[%get3A] : memref<32xi32, #tpu.memory_space<smem>>
          %swap3A = arith.index_cast %get3A_136 : i32 to index
          %swap3A_137 = tpu.vector_load %arg6[%swap3A] {strides = array<i32>} : memref<24576xf32, #tpu.memory_space<vmem>>, vector<16xf32>,
          tpu.vector_store %arg6[%swap3A], %broadcast_in_dim3A_7 {strides = array<i32>} : memref<24576xf32, #tpu.memory_space<vmem>>, vector<16xf32>,
          %scan3A_138 = arith.constant 0 : i32
          scf.yield %scan3A_138 : i32
        }
        %scan3A_133 = arith.constant 32 : i32
      } else {
      }
      %scan3A_69 = arith.constant 0 : i32
      %scan3A_70 = arith.constant 0 : i32
      %scan3A_71 = arith.constant 32 : i32
      %scan3A_72 = arith.addi %scan3A_70, %scan3A_71 : i32
      %scan3A_73 = arith.constant 1 : i32
      %scan3A_74 = scf.for %scan3A_121 = %scan3A_70 to %scan3A_72 step %scan3A_73 iter_args(%scan3A_122 = %scan3A_69) -> (i32)  : i32 {
        %shift_right_arithmetic3A = arith.constant 3 : i32
        %shift_right_arithmetic3A_123 = arith.shrsi %scan3A_121, %shift_right_arithmetic3A : i32
        %mul3A_124 = arith.constant 6144 : i32
        %mul3A_125 = arith.muli %shift_right_arithmetic3A_123, %mul3A_124 : i32
        %and3A = arith.constant 7 : i32
        %and3A_126 = arith.andi %scan3A_121, %and3A : i32
        %mul3A_127 = arith.constant 128 : i32
        %mul3A_128 = arith.muli %and3A_126, %mul3A_127 : i32
        %add3A_129 = arith.addi %mul3A_125, %mul3A_128 : i32
        %add3A_130 = arith.constant 0 : i32
        %add3A_131 = arith.addi %add3A_129, %add3A_130 : i32
        %add3A_132 = arith.constant 0 : i32
        %add3A_133 = arith.addi %add3A_131, %add3A_132 : i32
        %get3A = arith.index_cast %add3A_133 : i32 to index
        %get3A_134 = tpu.vector_load %arg4[%get3A] {strides = array<i32>} : memref<24576xf32, #tpu.memory_space<vmem>>, vector<16xf32>,
        %gt3A_135 = arith.cmpf ogt, %get3A_134, %broadcast_in_dim3A_5 : vector<16xf32>
        %select_n3A = arith.select %gt3A_135, %get3A_134, %broadcast_in_dim3A_5 : vector<16xi1>, vector<16xf32>
        %select_n3A_136 = arith.select %gt3A_135, %add3A_12, %add3A_12 : vector<16xi1>, vector<16xi32>
        %add3A_137 = arith.constant 64 : i32
        %add3A_138 = vector.broadcast %add3A_137 : i32 to vector<16xi32>
        %add3A_139 = arith.addi %add3A_12, %add3A_138 : vector<16xi32>
        %add3A_140 = arith.constant 0 : i32
        %add3A_141 = arith.addi %add3A_129, %add3A_140 : i32
        %add3A_142 = arith.constant 16 : i32
        %add3A_143 = arith.addi %add3A_141, %add3A_142 : i32
        %get3A_144 = arith.index_cast %add3A_143 : i32 to index
        %get3A_145 = tpu.vector_load %arg4[%get3A_144] {strides = array<i32>} : memref<24576xf32, #tpu.memory_space<vmem>>, vector<16xf32>,
        %gt3A_146 = arith.cmpf ogt, %get3A_145, %broadcast_in_dim3A_5 : vector<16xf32>
        %select_n3A_147 = arith.select %gt3A_146, %get3A_145, %broadcast_in_dim3A_5 : vector<16xi1>, vector<16xf32>
        %select_n3A_148 = arith.select %gt3A_146, %add3A_15, %add3A_15 : vector<16xi1>, vector<16xi32>
        %add3A_149 = arith.constant 64 : i32
        %add3A_150 = vector.broadcast %add3A_149 : i32 to vector<16xi32>
        %add3A_151 = arith.addi %add3A_15, %add3A_150 : vector<16xi32>
        %add3A_152 = arith.constant 0 : i32
        %add3A_153 = arith.addi %add3A_129, %add3A_152 : i32
        %add3A_154 = arith.constant 32 : i32
        %add3A_155 = arith.addi %add3A_153, %add3A_154 : i32
        %get3A_156 = arith.index_cast %add3A_155 : i32 to index
        %get3A_157 = tpu.vector_load %arg4[%get3A_156] {strides = array<i32>} : memref<24576xf32, #tpu.memory_space<vmem>>, vector<16xf32>,
        %gt3A_158 = arith.cmpf ogt, %get3A_157, %broadcast_in_dim3A_5 : vector<16xf32>
        %select_n3A_159 = arith.select %gt3A_158, %get3A_157, %broadcast_in_dim3A_5 : vector<16xi1>, vector<16xf32>
        %select_n3A_160 = arith.select %gt3A_158, %add3A_18, %add3A_18 : vector<16xi1>, vector<16xi32>
        %add3A_161 = arith.constant 64 : i32
        %add3A_162 = vector.broadcast %add3A_161 : i32 to vector<16xi32>
        %add3A_163 = arith.addi %add3A_18, %add3A_162 : vector<16xi32>
        %add3A_164 = arith.constant 0 : i32
        %add3A_165 = arith.addi %add3A_129, %add3A_164 : i32
        %add3A_166 = arith.constant 48 : i32
        %add3A_167 = arith.addi %add3A_165, %add3A_166 : i32
        %get3A_168 = arith.index_cast %add3A_167 : i32 to index
        %get3A_169 = tpu.vector_load %arg4[%get3A_168] {strides = array<i32>} : memref<24576xf32, #tpu.memory_space<vmem>>, vector<16xf32>,
        %gt3A_170 = arith.cmpf ogt, %get3A_169, %broadcast_in_dim3A_5 : vector<16xf32>
        %select_n3A_171 = arith.select %gt3A_170, %get3A_169, %broadcast_in_dim3A_5 : vector<16xi1>, vector<16xf32>
        %select_n3A_172 = arith.select %gt3A_170, %add3A_21, %add3A_21 : vector<16xi1>, vector<16xi32>
        %add3A_173 = arith.constant 64 : i32
        %add3A_174 = vector.broadcast %add3A_173 : i32 to vector<16xi32>
        %add3A_175 = arith.addi %add3A_21, %add3A_174 : vector<16xi32>
        %add3A_176 = arith.constant 0 : i32
        %add3A_177 = arith.addi %add3A_129, %add3A_176 : i32
        %add3A_178 = arith.constant 64 : i32
        %add3A_179 = arith.addi %add3A_177, %add3A_178 : i32
        %get3A_180 = arith.index_cast %add3A_179 : i32 to index
        %get3A_181 = tpu.vector_load %arg4[%get3A_180] {strides = array<i32>} : memref<24576xf32, #tpu.memory_space<vmem>>, vector<16xf32>,
        %gt3A_182 = arith.cmpf ogt, %get3A_181, %select_n3A : vector<16xf32>
        %select_n3A_183 = arith.select %gt3A_182, %get3A_181, %select_n3A : vector<16xi1>, vector<16xf32>
        %select_n3A_184 = arith.select %gt3A_182, %add3A_139, %select_n3A_136 : vector<16xi1>, vector<16xi32>
        %add3A_185 = arith.constant 64 : i32
        %add3A_186 = vector.broadcast %add3A_185 : i32 to vector<16xi32>
        %add3A_187 = arith.addi %add3A_139, %add3A_186 : vector<16xi32>
        %add3A_188 = arith.constant 0 : i32
        %add3A_189 = arith.addi %add3A_129, %add3A_188 : i32
        %add3A_190 = arith.constant 80 : i32
        %add3A_191 = arith.addi %add3A_189, %add3A_190 : i32
        %get3A_192 = arith.index_cast %add3A_191 : i32 to index
        %get3A_193 = tpu.vector_load %arg4[%get3A_192] {strides = array<i32>} : memref<24576xf32, #tpu.memory_space<vmem>>, vector<16xf32>,
        %gt3A_194 = arith.cmpf ogt, %get3A_193, %select_n3A_147 : vector<16xf32>
        %select_n3A_195 = arith.select %gt3A_194, %get3A_193, %select_n3A_147 : vector<16xi1>, vector<16xf32>
        %select_n3A_196 = arith.select %gt3A_194, %add3A_151, %select_n3A_148 : vector<16xi1>, vector<16xi32>
        %add3A_197 = arith.constant 64 : i32
        %add3A_198 = vector.broadcast %add3A_197 : i32 to vector<16xi32>
        %add3A_199 = arith.addi %add3A_151, %add3A_198 : vector<16xi32>
        %add3A_200 = arith.constant 0 : i32
        %add3A_201 = arith.addi %add3A_129, %add3A_200 : i32
        %add3A_202 = arith.constant 96 : i32
        %add3A_203 = arith.addi %add3A_201, %add3A_202 : i32
        %get3A_204 = arith.index_cast %add3A_203 : i32 to index
        %get3A_205 = tpu.vector_load %arg4[%get3A_204] {strides = array<i32>} : memref<24576xf32, #tpu.memory_space<vmem>>, vector<16xf32>,
        %gt3A_206 = arith.cmpf ogt, %get3A_205, %select_n3A_159 : vector<16xf32>
        %select_n3A_207 = arith.select %gt3A_206, %get3A_205, %select_n3A_159 : vector<16xi1>, vector<16xf32>
        %select_n3A_208 = arith.select %gt3A_206, %add3A_163, %select_n3A_160 : vector<16xi1>, vector<16xi32>
        %add3A_209 = arith.constant 64 : i32
        %add3A_210 = vector.broadcast %add3A_209 : i32 to vector<16xi32>
        %add3A_211 = arith.addi %add3A_163, %add3A_210 : vector<16xi32>
        %add3A_212 = arith.constant 0 : i32
        %add3A_213 = arith.addi %add3A_129, %add3A_212 : i32
        %add3A_214 = arith.constant 112 : i32
        %add3A_215 = arith.addi %add3A_213, %add3A_214 : i32
        %get3A_216 = arith.index_cast %add3A_215 : i32 to index
        %get3A_217 = tpu.vector_load %arg4[%get3A_216] {strides = array<i32>} : memref<24576xf32, #tpu.memory_space<vmem>>, vector<16xf32>,
        %gt3A_218 = arith.cmpf ogt, %get3A_217, %select_n3A_171 : vector<16xf32>
        %select_n3A_219 = arith.select %gt3A_218, %get3A_217, %select_n3A_171 : vector<16xi1>, vector<16xf32>
        %select_n3A_220 = arith.select %gt3A_218, %add3A_175, %select_n3A_172 : vector<16xi1>, vector<16xi32>
        %add3A_221 = arith.constant 64 : i32
        %add3A_222 = vector.broadcast %add3A_221 : i32 to vector<16xi32>
        %add3A_223 = arith.addi %add3A_175, %add3A_222 : vector<16xi32>
        %add3A_224 = arith.constant 1024 : i32
        %add3A_225 = arith.addi %add3A_129, %add3A_224 : i32
        %add3A_226 = arith.constant 0 : i32
        %add3A_227 = arith.addi %add3A_225, %add3A_226 : i32
        %get3A_228 = arith.index_cast %add3A_227 : i32 to index
        %get3A_229 = tpu.vector_load %arg4[%get3A_228] {strides = array<i32>} : memref<24576xf32, #tpu.memory_space<vmem>>, vector<16xf32>,
        %gt3A_230 = arith.cmpf ogt, %get3A_229, %select_n3A_183 : vector<16xf32>
        %select_n3A_231 = arith.select %gt3A_230, %get3A_229, %select_n3A_183 : vector<16xi1>, vector<16xf32>
        %select_n3A_232 = arith.select %gt3A_230, %add3A_187, %select_n3A_184 : vector<16xi1>, vector<16xi32>
        %add3A_233 = arith.constant 64 : i32
        %add3A_234 = vector.broadcast %add3A_233 : i32 to vector<16xi32>
        %add3A_235 = arith.addi %add3A_187, %add3A_234 : vector<16xi32>
        %add3A_236 = arith.constant 1024 : i32
        %add3A_237 = arith.addi %add3A_129, %add3A_236 : i32
        %add3A_238 = arith.constant 16 : i32
        %add3A_239 = arith.addi %add3A_237, %add3A_238 : i32
        %get3A_240 = arith.index_cast %add3A_239 : i32 to index
        %get3A_241 = tpu.vector_load %arg4[%get3A_240] {strides = array<i32>} : memref<24576xf32, #tpu.memory_space<vmem>>, vector<16xf32>,
        %gt3A_242 = arith.cmpf ogt, %get3A_241, %select_n3A_195 : vector<16xf32>
        %select_n3A_243 = arith.select %gt3A_242, %get3A_241, %select_n3A_195 : vector<16xi1>, vector<16xf32>
        %select_n3A_244 = arith.select %gt3A_242, %add3A_199, %select_n3A_196 : vector<16xi1>, vector<16xi32>
        %add3A_245 = arith.constant 64 : i32
        %add3A_246 = vector.broadcast %add3A_245 : i32 to vector<16xi32>
        %add3A_247 = arith.addi %add3A_199, %add3A_246 : vector<16xi32>
        %add3A_248 = arith.constant 1024 : i32
        %add3A_249 = arith.addi %add3A_129, %add3A_248 : i32
        %add3A_250 = arith.constant 32 : i32
        %add3A_251 = arith.addi %add3A_249, %add3A_250 : i32
        %get3A_252 = arith.index_cast %add3A_251 : i32 to index
        %get3A_253 = tpu.vector_load %arg4[%get3A_252] {strides = array<i32>} : memref<24576xf32, #tpu.memory_space<vmem>>, vector<16xf32>,
        %gt3A_254 = arith.cmpf ogt, %get3A_253, %select_n3A_207 : vector<16xf32>
        %select_n3A_255 = arith.select %gt3A_254, %get3A_253, %select_n3A_207 : vector<16xi1>, vector<16xf32>
        %select_n3A_256 = arith.select %gt3A_254, %add3A_211, %select_n3A_208 : vector<16xi1>, vector<16xi32>
        %add3A_257 = arith.constant 64 : i32
        %add3A_258 = vector.broadcast %add3A_257 : i32 to vector<16xi32>
        %add3A_259 = arith.addi %add3A_211, %add3A_258 : vector<16xi32>
        %add3A_260 = arith.constant 1024 : i32
        %add3A_261 = arith.addi %add3A_129, %add3A_260 : i32
        %add3A_262 = arith.constant 48 : i32
        %add3A_263 = arith.addi %add3A_261, %add3A_262 : i32
        %get3A_264 = arith.index_cast %add3A_263 : i32 to index
        %get3A_265 = tpu.vector_load %arg4[%get3A_264] {strides = array<i32>} : memref<24576xf32, #tpu.memory_space<vmem>>, vector<16xf32>,
        %gt3A_266 = arith.cmpf ogt, %get3A_265, %select_n3A_219 : vector<16xf32>
        %select_n3A_267 = arith.select %gt3A_266, %get3A_265, %select_n3A_219 : vector<16xi1>, vector<16xf32>
        %select_n3A_268 = arith.select %gt3A_266, %add3A_223, %select_n3A_220 : vector<16xi1>, vector<16xi32>
        %add3A_269 = arith.constant 64 : i32
        %add3A_270 = vector.broadcast %add3A_269 : i32 to vector<16xi32>
        %add3A_271 = arith.addi %add3A_223, %add3A_270 : vector<16xi32>
        %add3A_272 = arith.constant 1024 : i32
        %add3A_273 = arith.addi %add3A_129, %add3A_272 : i32
        %add3A_274 = arith.constant 64 : i32
        %add3A_275 = arith.addi %add3A_273, %add3A_274 : i32
        %get3A_276 = arith.index_cast %add3A_275 : i32 to index
        %get3A_277 = tpu.vector_load %arg4[%get3A_276] {strides = array<i32>} : memref<24576xf32, #tpu.memory_space<vmem>>, vector<16xf32>,
        %gt3A_278 = arith.cmpf ogt, %get3A_277, %select_n3A_231 : vector<16xf32>
        %select_n3A_279 = arith.select %gt3A_278, %get3A_277, %select_n3A_231 : vector<16xi1>, vector<16xf32>
        %select_n3A_280 = arith.select %gt3A_278, %add3A_235, %select_n3A_232 : vector<16xi1>, vector<16xi32>
        %add3A_281 = arith.constant 64 : i32
        %add3A_282 = vector.broadcast %add3A_281 : i32 to vector<16xi32>
        %add3A_283 = arith.addi %add3A_235, %add3A_282 : vector<16xi32>
        %add3A_284 = arith.constant 1024 : i32
        %add3A_285 = arith.addi %add3A_129, %add3A_284 : i32
        %add3A_286 = arith.constant 80 : i32
        %add3A_287 = arith.addi %add3A_285, %add3A_286 : i32
        %get3A_288 = arith.index_cast %add3A_287 : i32 to index
        %get3A_289 = tpu.vector_load %arg4[%get3A_288] {strides = array<i32>} : memref<24576xf32, #tpu.memory_space<vmem>>, vector<16xf32>,
        %gt3A_290 = arith.cmpf ogt, %get3A_289, %select_n3A_243 : vector<16xf32>
        %select_n3A_291 = arith.select %gt3A_290, %get3A_289, %select_n3A_243 : vector<16xi1>, vector<16xf32>
        %select_n3A_292 = arith.select %gt3A_290, %add3A_247, %select_n3A_244 : vector<16xi1>, vector<16xi32>
        %add3A_293 = arith.constant 64 : i32
        %add3A_294 = vector.broadcast %add3A_293 : i32 to vector<16xi32>
        %add3A_295 = arith.addi %add3A_247, %add3A_294 : vector<16xi32>
        %add3A_296 = arith.constant 1024 : i32
        %add3A_297 = arith.addi %add3A_129, %add3A_296 : i32
        %add3A_298 = arith.constant 96 : i32
        %add3A_299 = arith.addi %add3A_297, %add3A_298 : i32
        %get3A_300 = arith.index_cast %add3A_299 : i32 to index
        %get3A_301 = tpu.vector_load %arg4[%get3A_300] {strides = array<i32>} : memref<24576xf32, #tpu.memory_space<vmem>>, vector<16xf32>,
        %gt3A_302 = arith.cmpf ogt, %get3A_301, %select_n3A_255 : vector<16xf32>
        %select_n3A_303 = arith.select %gt3A_302, %get3A_301, %select_n3A_255 : vector<16xi1>, vector<16xf32>
        %select_n3A_304 = arith.select %gt3A_302, %add3A_259, %select_n3A_256 : vector<16xi1>, vector<16xi32>
        %add3A_305 = arith.constant 64 : i32
        %add3A_306 = vector.broadcast %add3A_305 : i32 to vector<16xi32>
        %add3A_307 = arith.addi %add3A_259, %add3A_306 : vector<16xi32>
        %add3A_308 = arith.constant 1024 : i32
        %add3A_309 = arith.addi %add3A_129, %add3A_308 : i32
        %add3A_310 = arith.constant 112 : i32
        %add3A_311 = arith.addi %add3A_309, %add3A_310 : i32
        %get3A_312 = arith.index_cast %add3A_311 : i32 to index
        %get3A_313 = tpu.vector_load %arg4[%get3A_312] {strides = array<i32>} : memref<24576xf32, #tpu.memory_space<vmem>>, vector<16xf32>,
        %gt3A_314 = arith.cmpf ogt, %get3A_313, %select_n3A_267 : vector<16xf32>
        %select_n3A_315 = arith.select %gt3A_314, %get3A_313, %select_n3A_267 : vector<16xi1>, vector<16xf32>
        %select_n3A_316 = arith.select %gt3A_314, %add3A_271, %select_n3A_268 : vector<16xi1>, vector<16xi32>
        %add3A_317 = arith.constant 64 : i32
        %add3A_318 = vector.broadcast %add3A_317 : i32 to vector<16xi32>
        %add3A_319 = arith.addi %add3A_271, %add3A_318 : vector<16xi32>
        %add3A_320 = arith.constant 2048 : i32
        %add3A_321 = arith.addi %add3A_129, %add3A_320 : i32
        %add3A_322 = arith.constant 0 : i32
        %add3A_323 = arith.addi %add3A_321, %add3A_322 : i32
        %get3A_324 = arith.index_cast %add3A_323 : i32 to index
        %get3A_325 = tpu.vector_load %arg4[%get3A_324] {strides = array<i32>} : memref<24576xf32, #tpu.memory_space<vmem>>, vector<16xf32>,
        %gt3A_326 = arith.cmpf ogt, %get3A_325, %select_n3A_279 : vector<16xf32>
        %select_n3A_327 = arith.select %gt3A_326, %get3A_325, %select_n3A_279 : vector<16xi1>, vector<16xf32>
        %select_n3A_328 = arith.select %gt3A_326, %add3A_283, %select_n3A_280 : vector<16xi1>, vector<16xi32>
        %add3A_329 = arith.constant 64 : i32
        %add3A_330 = vector.broadcast %add3A_329 : i32 to vector<16xi32>
        %add3A_331 = arith.addi %add3A_283, %add3A_330 : vector<16xi32>
        %add3A_332 = arith.constant 2048 : i32
        %add3A_333 = arith.addi %add3A_129, %add3A_332 : i32
        %add3A_334 = arith.constant 16 : i32
        %add3A_335 = arith.addi %add3A_333, %add3A_334 : i32
        %get3A_336 = arith.index_cast %add3A_335 : i32 to index
        %get3A_337 = tpu.vector_load %arg4[%get3A_336] {strides = array<i32>} : memref<24576xf32, #tpu.memory_space<vmem>>, vector<16xf32>,
        %gt3A_338 = arith.cmpf ogt, %get3A_337, %select_n3A_291 : vector<16xf32>
        %select_n3A_339 = arith.select %gt3A_338, %get3A_337, %select_n3A_291 : vector<16xi1>, vector<16xf32>
        %select_n3A_340 = arith.select %gt3A_338, %add3A_295, %select_n3A_292 : vector<16xi1>, vector<16xi32>
        %add3A_341 = arith.constant 64 : i32
        %add3A_342 = vector.broadcast %add3A_341 : i32 to vector<16xi32>
        %add3A_343 = arith.addi %add3A_295, %add3A_342 : vector<16xi32>
        %add3A_344 = arith.constant 2048 : i32
        %add3A_345 = arith.addi %add3A_129, %add3A_344 : i32
        %add3A_346 = arith.constant 32 : i32
        %add3A_347 = arith.addi %add3A_345, %add3A_346 : i32
        %get3A_348 = arith.index_cast %add3A_347 : i32 to index
        %get3A_349 = tpu.vector_load %arg4[%get3A_348] {strides = array<i32>} : memref<24576xf32, #tpu.memory_space<vmem>>, vector<16xf32>,
        %gt3A_350 = arith.cmpf ogt, %get3A_349, %select_n3A_303 : vector<16xf32>
        %select_n3A_351 = arith.select %gt3A_350, %get3A_349, %select_n3A_303 : vector<16xi1>, vector<16xf32>
        %select_n3A_352 = arith.select %gt3A_350, %add3A_307, %select_n3A_304 : vector<16xi1>, vector<16xi32>
        %add3A_353 = arith.constant 64 : i32
        %add3A_354 = vector.broadcast %add3A_353 : i32 to vector<16xi32>
        %add3A_355 = arith.addi %add3A_307, %add3A_354 : vector<16xi32>
        %add3A_356 = arith.constant 2048 : i32
        %add3A_357 = arith.addi %add3A_129, %add3A_356 : i32
        %add3A_358 = arith.constant 48 : i32
        %add3A_359 = arith.addi %add3A_357, %add3A_358 : i32
        %get3A_360 = arith.index_cast %add3A_359 : i32 to index
        %get3A_361 = tpu.vector_load %arg4[%get3A_360] {strides = array<i32>} : memref<24576xf32, #tpu.memory_space<vmem>>, vector<16xf32>,
        %gt3A_362 = arith.cmpf ogt, %get3A_361, %select_n3A_315 : vector<16xf32>
        %select_n3A_363 = arith.select %gt3A_362, %get3A_361, %select_n3A_315 : vector<16xi1>, vector<16xf32>
        %select_n3A_364 = arith.select %gt3A_362, %add3A_319, %select_n3A_316 : vector<16xi1>, vector<16xi32>
        %add3A_365 = arith.constant 64 : i32
        %add3A_366 = vector.broadcast %add3A_365 : i32 to vector<16xi32>
        %add3A_367 = arith.addi %add3A_319, %add3A_366 : vector<16xi32>
        %add3A_368 = arith.constant 2048 : i32
        %add3A_369 = arith.addi %add3A_129, %add3A_368 : i32
        %add3A_370 = arith.constant 64 : i32
        %add3A_371 = arith.addi %add3A_369, %add3A_370 : i32
        %get3A_372 = arith.index_cast %add3A_371 : i32 to index
        %get3A_373 = tpu.vector_load %arg4[%get3A_372] {strides = array<i32>} : memref<24576xf32, #tpu.memory_space<vmem>>, vector<16xf32>,
        %gt3A_374 = arith.cmpf ogt, %get3A_373, %select_n3A_327 : vector<16xf32>
        %select_n3A_375 = arith.select %gt3A_374, %get3A_373, %select_n3A_327 : vector<16xi1>, vector<16xf32>
        %select_n3A_376 = arith.select %gt3A_374, %add3A_331, %select_n3A_328 : vector<16xi1>, vector<16xi32>
        %add3A_377 = arith.constant 64 : i32
        %add3A_378 = vector.broadcast %add3A_377 : i32 to vector<16xi32>
        %add3A_379 = arith.addi %add3A_331, %add3A_378 : vector<16xi32>
        %add3A_380 = arith.constant 2048 : i32
        %add3A_381 = arith.addi %add3A_129, %add3A_380 : i32
        %add3A_382 = arith.constant 80 : i32
        %add3A_383 = arith.addi %add3A_381, %add3A_382 : i32
        %get3A_384 = arith.index_cast %add3A_383 : i32 to index
        %get3A_385 = tpu.vector_load %arg4[%get3A_384] {strides = array<i32>} : memref<24576xf32, #tpu.memory_space<vmem>>, vector<16xf32>,
        %gt3A_386 = arith.cmpf ogt, %get3A_385, %select_n3A_339 : vector<16xf32>
        %select_n3A_387 = arith.select %gt3A_386, %get3A_385, %select_n3A_339 : vector<16xi1>, vector<16xf32>
        %select_n3A_388 = arith.select %gt3A_386, %add3A_343, %select_n3A_340 : vector<16xi1>, vector<16xi32>
        %add3A_389 = arith.constant 64 : i32
        %add3A_390 = vector.broadcast %add3A_389 : i32 to vector<16xi32>
        %add3A_391 = arith.addi %add3A_343, %add3A_390 : vector<16xi32>
        %add3A_392 = arith.constant 2048 : i32
        %add3A_393 = arith.addi %add3A_129, %add3A_392 : i32
        %add3A_394 = arith.constant 96 : i32
        %add3A_395 = arith.addi %add3A_393, %add3A_394 : i32
        %get3A_396 = arith.index_cast %add3A_395 : i32 to index
        %get3A_397 = tpu.vector_load %arg4[%get3A_396] {strides = array<i32>} : memref<24576xf32, #tpu.memory_space<vmem>>, vector<16xf32>,
        %gt3A_398 = arith.cmpf ogt, %get3A_397, %select_n3A_351 : vector<16xf32>
        %select_n3A_399 = arith.select %gt3A_398, %get3A_397, %select_n3A_351 : vector<16xi1>, vector<16xf32>
        %select_n3A_400 = arith.select %gt3A_398, %add3A_355, %select_n3A_352 : vector<16xi1>, vector<16xi32>
        %add3A_401 = arith.constant 64 : i32
        %add3A_402 = vector.broadcast %add3A_401 : i32 to vector<16xi32>
        %add3A_403 = arith.addi %add3A_355, %add3A_402 : vector<16xi32>
        %add3A_404 = arith.constant 2048 : i32
        %add3A_405 = arith.addi %add3A_129, %add3A_404 : i32
        %add3A_406 = arith.constant 112 : i32
        %add3A_407 = arith.addi %add3A_405, %add3A_406 : i32
        %get3A_408 = arith.index_cast %add3A_407 : i32 to index
        %get3A_409 = tpu.vector_load %arg4[%get3A_408] {strides = array<i32>} : memref<24576xf32, #tpu.memory_space<vmem>>, vector<16xf32>,
        %gt3A_410 = arith.cmpf ogt, %get3A_409, %select_n3A_363 : vector<16xf32>
        %select_n3A_411 = arith.select %gt3A_410, %get3A_409, %select_n3A_363 : vector<16xi1>, vector<16xf32>
        %select_n3A_412 = arith.select %gt3A_410, %add3A_367, %select_n3A_364 : vector<16xi1>, vector<16xi32>
        %add3A_413 = arith.constant 64 : i32
        %add3A_414 = vector.broadcast %add3A_413 : i32 to vector<16xi32>
        %add3A_415 = arith.addi %add3A_367, %add3A_414 : vector<16xi32>
        %add3A_416 = arith.constant 3072 : i32
        %add3A_417 = arith.addi %add3A_129, %add3A_416 : i32
        %add3A_418 = arith.constant 0 : i32
        %add3A_419 = arith.addi %add3A_417, %add3A_418 : i32
        %get3A_420 = arith.index_cast %add3A_419 : i32 to index
        %get3A_421 = tpu.vector_load %arg4[%get3A_420] {strides = array<i32>} : memref<24576xf32, #tpu.memory_space<vmem>>, vector<16xf32>,
        %gt3A_422 = arith.cmpf ogt, %get3A_421, %select_n3A_375 : vector<16xf32>
        %select_n3A_423 = arith.select %gt3A_422, %get3A_421, %select_n3A_375 : vector<16xi1>, vector<16xf32>
        %select_n3A_424 = arith.select %gt3A_422, %add3A_379, %select_n3A_376 : vector<16xi1>, vector<16xi32>
        %add3A_425 = arith.constant 64 : i32
        %add3A_426 = vector.broadcast %add3A_425 : i32 to vector<16xi32>
        %add3A_427 = arith.addi %add3A_379, %add3A_426 : vector<16xi32>
        %add3A_428 = arith.constant 3072 : i32
        %add3A_429 = arith.addi %add3A_129, %add3A_428 : i32
        %add3A_430 = arith.constant 16 : i32
        %add3A_431 = arith.addi %add3A_429, %add3A_430 : i32
        %get3A_432 = arith.index_cast %add3A_431 : i32 to index
        %get3A_433 = tpu.vector_load %arg4[%get3A_432] {strides = array<i32>} : memref<24576xf32, #tpu.memory_space<vmem>>, vector<16xf32>,
        %gt3A_434 = arith.cmpf ogt, %get3A_433, %select_n3A_387 : vector<16xf32>
        %select_n3A_435 = arith.select %gt3A_434, %get3A_433, %select_n3A_387 : vector<16xi1>, vector<16xf32>
        %select_n3A_436 = arith.select %gt3A_434, %add3A_391, %select_n3A_388 : vector<16xi1>, vector<16xi32>
        %add3A_437 = arith.constant 64 : i32
        %add3A_438 = vector.broadcast %add3A_437 : i32 to vector<16xi32>
        %add3A_439 = arith.addi %add3A_391, %add3A_438 : vector<16xi32>
        %add3A_440 = arith.constant 3072 : i32
        %add3A_441 = arith.addi %add3A_129, %add3A_440 : i32
        %add3A_442 = arith.constant 32 : i32
        %add3A_443 = arith.addi %add3A_441, %add3A_442 : i32
        %get3A_444 = arith.index_cast %add3A_443 : i32 to index
        %get3A_445 = tpu.vector_load %arg4[%get3A_444] {strides = array<i32>} : memref<24576xf32, #tpu.memory_space<vmem>>, vector<16xf32>,
        %gt3A_446 = arith.cmpf ogt, %get3A_445, %select_n3A_399 : vector<16xf32>
        %select_n3A_447 = arith.select %gt3A_446, %get3A_445, %select_n3A_399 : vector<16xi1>, vector<16xf32>
        %select_n3A_448 = arith.select %gt3A_446, %add3A_403, %select_n3A_400 : vector<16xi1>, vector<16xi32>
        %add3A_449 = arith.constant 64 : i32
        %add3A_450 = vector.broadcast %add3A_449 : i32 to vector<16xi32>
        %add3A_451 = arith.addi %add3A_403, %add3A_450 : vector<16xi32>
        %add3A_452 = arith.constant 3072 : i32
        %add3A_453 = arith.addi %add3A_129, %add3A_452 : i32
        %add3A_454 = arith.constant 48 : i32
        %add3A_455 = arith.addi %add3A_453, %add3A_454 : i32
        %get3A_456 = arith.index_cast %add3A_455 : i32 to index
        %get3A_457 = tpu.vector_load %arg4[%get3A_456] {strides = array<i32>} : memref<24576xf32, #tpu.memory_space<vmem>>, vector<16xf32>,
        %gt3A_458 = arith.cmpf ogt, %get3A_457, %select_n3A_411 : vector<16xf32>
        %select_n3A_459 = arith.select %gt3A_458, %get3A_457, %select_n3A_411 : vector<16xi1>, vector<16xf32>
        %select_n3A_460 = arith.select %gt3A_458, %add3A_415, %select_n3A_412 : vector<16xi1>, vector<16xi32>
        %add3A_461 = arith.constant 64 : i32
        %add3A_462 = vector.broadcast %add3A_461 : i32 to vector<16xi32>
        %add3A_463 = arith.addi %add3A_415, %add3A_462 : vector<16xi32>
        %add3A_464 = arith.constant 3072 : i32
        %add3A_465 = arith.addi %add3A_129, %add3A_464 : i32
        %add3A_466 = arith.constant 64 : i32
        %add3A_467 = arith.addi %add3A_465, %add3A_466 : i32
        %get3A_468 = arith.index_cast %add3A_467 : i32 to index
        %get3A_469 = tpu.vector_load %arg4[%get3A_468] {strides = array<i32>} : memref<24576xf32, #tpu.memory_space<vmem>>, vector<16xf32>,
        %gt3A_470 = arith.cmpf ogt, %get3A_469, %select_n3A_423 : vector<16xf32>
        %select_n3A_471 = arith.select %gt3A_470, %get3A_469, %select_n3A_423 : vector<16xi1>, vector<16xf32>
        %select_n3A_472 = arith.select %gt3A_470, %add3A_427, %select_n3A_424 : vector<16xi1>, vector<16xi32>
        %add3A_473 = arith.constant 64 : i32
        %add3A_474 = vector.broadcast %add3A_473 : i32 to vector<16xi32>
        %add3A_475 = arith.addi %add3A_427, %add3A_474 : vector<16xi32>
        %add3A_476 = arith.constant 3072 : i32
        %add3A_477 = arith.addi %add3A_129, %add3A_476 : i32
        %add3A_478 = arith.constant 80 : i32
        %add3A_479 = arith.addi %add3A_477, %add3A_478 : i32
        %get3A_480 = arith.index_cast %add3A_479 : i32 to index
        %get3A_481 = tpu.vector_load %arg4[%get3A_480] {strides = array<i32>} : memref<24576xf32, #tpu.memory_space<vmem>>, vector<16xf32>,
        %gt3A_482 = arith.cmpf ogt, %get3A_481, %select_n3A_435 : vector<16xf32>
        %select_n3A_483 = arith.select %gt3A_482, %get3A_481, %select_n3A_435 : vector<16xi1>, vector<16xf32>
        %select_n3A_484 = arith.select %gt3A_482, %add3A_439, %select_n3A_436 : vector<16xi1>, vector<16xi32>
        %add3A_485 = arith.constant 64 : i32
        %add3A_486 = vector.broadcast %add3A_485 : i32 to vector<16xi32>
        %add3A_487 = arith.addi %add3A_439, %add3A_486 : vector<16xi32>
        %add3A_488 = arith.constant 3072 : i32
        %add3A_489 = arith.addi %add3A_129, %add3A_488 : i32
        %add3A_490 = arith.constant 96 : i32
        %add3A_491 = arith.addi %add3A_489, %add3A_490 : i32
        %get3A_492 = arith.index_cast %add3A_491 : i32 to index
        %get3A_493 = tpu.vector_load %arg4[%get3A_492] {strides = array<i32>} : memref<24576xf32, #tpu.memory_space<vmem>>, vector<16xf32>,
        %gt3A_494 = arith.cmpf ogt, %get3A_493, %select_n3A_447 : vector<16xf32>
        %select_n3A_495 = arith.select %gt3A_494, %get3A_493, %select_n3A_447 : vector<16xi1>, vector<16xf32>
        %select_n3A_496 = arith.select %gt3A_494, %add3A_451, %select_n3A_448 : vector<16xi1>, vector<16xi32>
        %add3A_497 = arith.constant 64 : i32
        %add3A_498 = vector.broadcast %add3A_497 : i32 to vector<16xi32>
        %add3A_499 = arith.addi %add3A_451, %add3A_498 : vector<16xi32>
        %add3A_500 = arith.constant 3072 : i32
        %add3A_501 = arith.addi %add3A_129, %add3A_500 : i32
        %add3A_502 = arith.constant 112 : i32
        %add3A_503 = arith.addi %add3A_501, %add3A_502 : i32
        %get3A_504 = arith.index_cast %add3A_503 : i32 to index
        %get3A_505 = tpu.vector_load %arg4[%get3A_504] {strides = array<i32>} : memref<24576xf32, #tpu.memory_space<vmem>>, vector<16xf32>,
        %gt3A_506 = arith.cmpf ogt, %get3A_505, %select_n3A_459 : vector<16xf32>
        %select_n3A_507 = arith.select %gt3A_506, %get3A_505, %select_n3A_459 : vector<16xi1>, vector<16xf32>
        %select_n3A_508 = arith.select %gt3A_506, %add3A_463, %select_n3A_460 : vector<16xi1>, vector<16xi32>
        %add3A_509 = arith.constant 64 : i32
        %add3A_510 = vector.broadcast %add3A_509 : i32 to vector<16xi32>
        %add3A_511 = arith.addi %add3A_463, %add3A_510 : vector<16xi32>
        %add3A_512 = arith.constant 4096 : i32
        %add3A_513 = arith.addi %add3A_129, %add3A_512 : i32
        %add3A_514 = arith.constant 0 : i32
        %add3A_515 = arith.addi %add3A_513, %add3A_514 : i32
        %get3A_516 = arith.index_cast %add3A_515 : i32 to index
        %get3A_517 = tpu.vector_load %arg4[%get3A_516] {strides = array<i32>} : memref<24576xf32, #tpu.memory_space<vmem>>, vector<16xf32>,
        %gt3A_518 = arith.cmpf ogt, %get3A_517, %select_n3A_471 : vector<16xf32>
        %select_n3A_519 = arith.select %gt3A_518, %get3A_517, %select_n3A_471 : vector<16xi1>, vector<16xf32>
        %select_n3A_520 = arith.select %gt3A_518, %add3A_475, %select_n3A_472 : vector<16xi1>, vector<16xi32>
        %add3A_521 = arith.constant 64 : i32
        %add3A_522 = vector.broadcast %add3A_521 : i32 to vector<16xi32>
        %add3A_523 = arith.addi %add3A_475, %add3A_522 : vector<16xi32>
        %add3A_524 = arith.constant 4096 : i32
        %add3A_525 = arith.addi %add3A_129, %add3A_524 : i32
        %add3A_526 = arith.constant 16 : i32
        %add3A_527 = arith.addi %add3A_525, %add3A_526 : i32
        %get3A_528 = arith.index_cast %add3A_527 : i32 to index
        %get3A_529 = tpu.vector_load %arg4[%get3A_528] {strides = array<i32>} : memref<24576xf32, #tpu.memory_space<vmem>>, vector<16xf32>,
        %gt3A_530 = arith.cmpf ogt, %get3A_529, %select_n3A_483 : vector<16xf32>
        %select_n3A_531 = arith.select %gt3A_530, %get3A_529, %select_n3A_483 : vector<16xi1>, vector<16xf32>
        %select_n3A_532 = arith.select %gt3A_530, %add3A_487, %select_n3A_484 : vector<16xi1>, vector<16xi32>
        %add3A_533 = arith.constant 64 : i32
        %add3A_534 = vector.broadcast %add3A_533 : i32 to vector<16xi32>
        %add3A_535 = arith.addi %add3A_487, %add3A_534 : vector<16xi32>
        %add3A_536 = arith.constant 4096 : i32
        %add3A_537 = arith.addi %add3A_129, %add3A_536 : i32
        %add3A_538 = arith.constant 32 : i32
        %add3A_539 = arith.addi %add3A_537, %add3A_538 : i32
        %get3A_540 = arith.index_cast %add3A_539 : i32 to index
        %get3A_541 = tpu.vector_load %arg4[%get3A_540] {strides = array<i32>} : memref<24576xf32, #tpu.memory_space<vmem>>, vector<16xf32>,
        %gt3A_542 = arith.cmpf ogt, %get3A_541, %select_n3A_495 : vector<16xf32>
        %select_n3A_543 = arith.select %gt3A_542, %get3A_541, %select_n3A_495 : vector<16xi1>, vector<16xf32>
        %select_n3A_544 = arith.select %gt3A_542, %add3A_499, %select_n3A_496 : vector<16xi1>, vector<16xi32>
        %add3A_545 = arith.constant 64 : i32
        %add3A_546 = vector.broadcast %add3A_545 : i32 to vector<16xi32>
        %add3A_547 = arith.addi %add3A_499, %add3A_546 : vector<16xi32>
        %add3A_548 = arith.constant 4096 : i32
        %add3A_549 = arith.addi %add3A_129, %add3A_548 : i32
        %add3A_550 = arith.constant 48 : i32
        %add3A_551 = arith.addi %add3A_549, %add3A_550 : i32
        %get3A_552 = arith.index_cast %add3A_551 : i32 to index
        %get3A_553 = tpu.vector_load %arg4[%get3A_552] {strides = array<i32>} : memref<24576xf32, #tpu.memory_space<vmem>>, vector<16xf32>,
        %gt3A_554 = arith.cmpf ogt, %get3A_553, %select_n3A_507 : vector<16xf32>
        %select_n3A_555 = arith.select %gt3A_554, %get3A_553, %select_n3A_507 : vector<16xi1>, vector<16xf32>
        %select_n3A_556 = arith.select %gt3A_554, %add3A_511, %select_n3A_508 : vector<16xi1>, vector<16xi32>
        %add3A_557 = arith.constant 64 : i32
        %add3A_558 = vector.broadcast %add3A_557 : i32 to vector<16xi32>
        %add3A_559 = arith.addi %add3A_511, %add3A_558 : vector<16xi32>
        %add3A_560 = arith.constant 4096 : i32
        %add3A_561 = arith.addi %add3A_129, %add3A_560 : i32
        %add3A_562 = arith.constant 64 : i32
        %add3A_563 = arith.addi %add3A_561, %add3A_562 : i32
        %get3A_564 = arith.index_cast %add3A_563 : i32 to index
        %get3A_565 = tpu.vector_load %arg4[%get3A_564] {strides = array<i32>} : memref<24576xf32, #tpu.memory_space<vmem>>, vector<16xf32>,
        %gt3A_566 = arith.cmpf ogt, %get3A_565, %select_n3A_519 : vector<16xf32>
        %select_n3A_567 = arith.select %gt3A_566, %get3A_565, %select_n3A_519 : vector<16xi1>, vector<16xf32>
        %select_n3A_568 = arith.select %gt3A_566, %add3A_523, %select_n3A_520 : vector<16xi1>, vector<16xi32>
        %add3A_569 = arith.constant 64 : i32
        %add3A_570 = vector.broadcast %add3A_569 : i32 to vector<16xi32>
        %add3A_571 = arith.addi %add3A_523, %add3A_570 : vector<16xi32>
        %add3A_572 = arith.constant 4096 : i32
        %add3A_573 = arith.addi %add3A_129, %add3A_572 : i32
        %add3A_574 = arith.constant 80 : i32
        %add3A_575 = arith.addi %add3A_573, %add3A_574 : i32
        %get3A_576 = arith.index_cast %add3A_575 : i32 to index
        %get3A_577 = tpu.vector_load %arg4[%get3A_576] {strides = array<i32>} : memref<24576xf32, #tpu.memory_space<vmem>>, vector<16xf32>,
        %gt3A_578 = arith.cmpf ogt, %get3A_577, %select_n3A_531 : vector<16xf32>
        %select_n3A_579 = arith.select %gt3A_578, %get3A_577, %select_n3A_531 : vector<16xi1>, vector<16xf32>
        %select_n3A_580 = arith.select %gt3A_578, %add3A_535, %select_n3A_532 : vector<16xi1>, vector<16xi32>
        %add3A_581 = arith.constant 64 : i32
        %add3A_582 = vector.broadcast %add3A_581 : i32 to vector<16xi32>
        %add3A_583 = arith.addi %add3A_535, %add3A_582 : vector<16xi32>
        %add3A_584 = arith.constant 4096 : i32
        %add3A_585 = arith.addi %add3A_129, %add3A_584 : i32
        %add3A_586 = arith.constant 96 : i32
        %add3A_587 = arith.addi %add3A_585, %add3A_586 : i32
        %get3A_588 = arith.index_cast %add3A_587 : i32 to index
        %get3A_589 = tpu.vector_load %arg4[%get3A_588] {strides = array<i32>} : memref<24576xf32, #tpu.memory_space<vmem>>, vector<16xf32>,
        %gt3A_590 = arith.cmpf ogt, %get3A_589, %select_n3A_543 : vector<16xf32>
        %select_n3A_591 = arith.select %gt3A_590, %get3A_589, %select_n3A_543 : vector<16xi1>, vector<16xf32>
        %select_n3A_592 = arith.select %gt3A_590, %add3A_547, %select_n3A_544 : vector<16xi1>, vector<16xi32>
        %add3A_593 = arith.constant 64 : i32
        %add3A_594 = vector.broadcast %add3A_593 : i32 to vector<16xi32>
        %add3A_595 = arith.addi %add3A_547, %add3A_594 : vector<16xi32>
        %add3A_596 = arith.constant 4096 : i32
        %add3A_597 = arith.addi %add3A_129, %add3A_596 : i32
        %add3A_598 = arith.constant 112 : i32
        %add3A_599 = arith.addi %add3A_597, %add3A_598 : i32
        %get3A_600 = arith.index_cast %add3A_599 : i32 to index
        %get3A_601 = tpu.vector_load %arg4[%get3A_600] {strides = array<i32>} : memref<24576xf32, #tpu.memory_space<vmem>>, vector<16xf32>,
        %gt3A_602 = arith.cmpf ogt, %get3A_601, %select_n3A_555 : vector<16xf32>
        %select_n3A_603 = arith.select %gt3A_602, %get3A_601, %select_n3A_555 : vector<16xi1>, vector<16xf32>
        %select_n3A_604 = arith.select %gt3A_602, %add3A_559, %select_n3A_556 : vector<16xi1>, vector<16xi32>
        %add3A_605 = arith.constant 64 : i32
        %add3A_606 = vector.broadcast %add3A_605 : i32 to vector<16xi32>
        %add3A_607 = arith.addi %add3A_559, %add3A_606 : vector<16xi32>
        %add3A_608 = arith.constant 5120 : i32
        %add3A_609 = arith.addi %add3A_129, %add3A_608 : i32
        %add3A_610 = arith.constant 0 : i32
        %add3A_611 = arith.addi %add3A_609, %add3A_610 : i32
        %get3A_612 = arith.index_cast %add3A_611 : i32 to index
        %get3A_613 = tpu.vector_load %arg4[%get3A_612] {strides = array<i32>} : memref<24576xf32, #tpu.memory_space<vmem>>, vector<16xf32>,
        %gt3A_614 = arith.cmpf ogt, %get3A_613, %select_n3A_567 : vector<16xf32>
        %select_n3A_615 = arith.select %gt3A_614, %get3A_613, %select_n3A_567 : vector<16xi1>, vector<16xf32>
        %select_n3A_616 = arith.select %gt3A_614, %add3A_571, %select_n3A_568 : vector<16xi1>, vector<16xi32>
        %add3A_617 = arith.constant 64 : i32
        %add3A_618 = vector.broadcast %add3A_617 : i32 to vector<16xi32>
        %add3A_619 = arith.addi %add3A_571, %add3A_618 : vector<16xi32>
        %add3A_620 = arith.constant 5120 : i32
        %add3A_621 = arith.addi %add3A_129, %add3A_620 : i32
        %add3A_622 = arith.constant 16 : i32
        %add3A_623 = arith.addi %add3A_621, %add3A_622 : i32
        %get3A_624 = arith.index_cast %add3A_623 : i32 to index
        %get3A_625 = tpu.vector_load %arg4[%get3A_624] {strides = array<i32>} : memref<24576xf32, #tpu.memory_space<vmem>>, vector<16xf32>,
        %gt3A_626 = arith.cmpf ogt, %get3A_625, %select_n3A_579 : vector<16xf32>
        %select_n3A_627 = arith.select %gt3A_626, %get3A_625, %select_n3A_579 : vector<16xi1>, vector<16xf32>
        %select_n3A_628 = arith.select %gt3A_626, %add3A_583, %select_n3A_580 : vector<16xi1>, vector<16xi32>
        %add3A_629 = arith.constant 64 : i32
        %add3A_630 = vector.broadcast %add3A_629 : i32 to vector<16xi32>
        %add3A_631 = arith.addi %add3A_583, %add3A_630 : vector<16xi32>
        %add3A_632 = arith.constant 5120 : i32
        %add3A_633 = arith.addi %add3A_129, %add3A_632 : i32
        %add3A_634 = arith.constant 32 : i32
        %add3A_635 = arith.addi %add3A_633, %add3A_634 : i32
        %get3A_636 = arith.index_cast %add3A_635 : i32 to index
        %get3A_637 = tpu.vector_load %arg4[%get3A_636] {strides = array<i32>} : memref<24576xf32, #tpu.memory_space<vmem>>, vector<16xf32>,
        %gt3A_638 = arith.cmpf ogt, %get3A_637, %select_n3A_591 : vector<16xf32>
        %select_n3A_639 = arith.select %gt3A_638, %get3A_637, %select_n3A_591 : vector<16xi1>, vector<16xf32>
        %select_n3A_640 = arith.select %gt3A_638, %add3A_595, %select_n3A_592 : vector<16xi1>, vector<16xi32>
        %add3A_641 = arith.constant 64 : i32
        %add3A_642 = vector.broadcast %add3A_641 : i32 to vector<16xi32>
        %add3A_643 = arith.addi %add3A_595, %add3A_642 : vector<16xi32>
        %add3A_644 = arith.constant 5120 : i32
        %add3A_645 = arith.addi %add3A_129, %add3A_644 : i32
        %add3A_646 = arith.constant 48 : i32
        %add3A_647 = arith.addi %add3A_645, %add3A_646 : i32
        %get3A_648 = arith.index_cast %add3A_647 : i32 to index
        %get3A_649 = tpu.vector_load %arg4[%get3A_648] {strides = array<i32>} : memref<24576xf32, #tpu.memory_space<vmem>>, vector<16xf32>,
        %gt3A_650 = arith.cmpf ogt, %get3A_649, %select_n3A_603 : vector<16xf32>
        %select_n3A_651 = arith.select %gt3A_650, %get3A_649, %select_n3A_603 : vector<16xi1>, vector<16xf32>
        %select_n3A_652 = arith.select %gt3A_650, %add3A_607, %select_n3A_604 : vector<16xi1>, vector<16xi32>
        %add3A_653 = arith.constant 64 : i32
        %add3A_654 = vector.broadcast %add3A_653 : i32 to vector<16xi32>
        %add3A_655 = arith.addi %add3A_607, %add3A_654 : vector<16xi32>
        %add3A_656 = arith.constant 5120 : i32
        %add3A_657 = arith.addi %add3A_129, %add3A_656 : i32
        %add3A_658 = arith.constant 64 : i32
        %add3A_659 = arith.addi %add3A_657, %add3A_658 : i32
        %get3A_660 = arith.index_cast %add3A_659 : i32 to index
        %get3A_661 = tpu.vector_load %arg4[%get3A_660] {strides = array<i32>} : memref<24576xf32, #tpu.memory_space<vmem>>, vector<16xf32>,
        %gt3A_662 = arith.cmpf ogt, %get3A_661, %select_n3A_615 : vector<16xf32>
        %select_n3A_663 = arith.select %gt3A_662, %get3A_661, %select_n3A_615 : vector<16xi1>, vector<16xf32>
        %select_n3A_664 = arith.select %gt3A_662, %add3A_619, %select_n3A_616 : vector<16xi1>, vector<16xi32>
        %add3A_665 = arith.constant 5120 : i32
        %add3A_666 = arith.addi %add3A_129, %add3A_665 : i32
        %add3A_667 = arith.constant 80 : i32
        %add3A_668 = arith.addi %add3A_666, %add3A_667 : i32
        %get3A_669 = arith.index_cast %add3A_668 : i32 to index
        %get3A_670 = tpu.vector_load %arg4[%get3A_669] {strides = array<i32>} : memref<24576xf32, #tpu.memory_space<vmem>>, vector<16xf32>,
        %gt3A_671 = arith.cmpf ogt, %get3A_670, %select_n3A_627 : vector<16xf32>
        %select_n3A_672 = arith.select %gt3A_671, %get3A_670, %select_n3A_627 : vector<16xi1>, vector<16xf32>
        %select_n3A_673 = arith.select %gt3A_671, %add3A_631, %select_n3A_628 : vector<16xi1>, vector<16xi32>
        %add3A_674 = arith.constant 5120 : i32
        %add3A_675 = arith.addi %add3A_129, %add3A_674 : i32
        %add3A_676 = arith.constant 96 : i32
        %add3A_677 = arith.addi %add3A_675, %add3A_676 : i32
        %get3A_678 = arith.index_cast %add3A_677 : i32 to index
        %get3A_679 = tpu.vector_load %arg4[%get3A_678] {strides = array<i32>} : memref<24576xf32, #tpu.memory_space<vmem>>, vector<16xf32>,
        %gt3A_680 = arith.cmpf ogt, %get3A_679, %select_n3A_639 : vector<16xf32>
        %select_n3A_681 = arith.select %gt3A_680, %get3A_679, %select_n3A_639 : vector<16xi1>, vector<16xf32>
        %select_n3A_682 = arith.select %gt3A_680, %add3A_643, %select_n3A_640 : vector<16xi1>, vector<16xi32>
        %add3A_683 = arith.constant 5120 : i32
        %add3A_684 = arith.addi %add3A_129, %add3A_683 : i32
        %add3A_685 = arith.constant 112 : i32
        %add3A_686 = arith.addi %add3A_684, %add3A_685 : i32
        %get3A_687 = arith.index_cast %add3A_686 : i32 to index
        %get3A_688 = tpu.vector_load %arg4[%get3A_687] {strides = array<i32>} : memref<24576xf32, #tpu.memory_space<vmem>>, vector<16xf32>,
        %gt3A_689 = arith.cmpf ogt, %get3A_688, %select_n3A_651 : vector<16xf32>
        %select_n3A_690 = arith.select %gt3A_689, %get3A_688, %select_n3A_651 : vector<16xi1>, vector<16xf32>
        %select_n3A_691 = arith.select %gt3A_689, %add3A_655, %select_n3A_652 : vector<16xi1>, vector<16xi32>
        %gt3A_692 = arith.cmpf ogt, %select_n3A_663, %select_n3A_672 : vector<16xf32>
        %eq3A = arith.cmpf oeq, %select_n3A_663, %select_n3A_672 : vector<16xf32>
        %lt3A_693 = arith.cmpi slt, %select_n3A_664, %select_n3A_673 : vector<16xi32>
        %and3A_694 = arith.andi %eq3A, %lt3A_693 : vector<16xi1>
        %or3A = arith.ori %gt3A_692, %and3A_694 : vector<16xi1>
        %select_n3A_695 = arith.select %or3A, %select_n3A_663, %select_n3A_672 : vector<16xi1>, vector<16xf32>
        %select_n3A_696 = arith.select %or3A, %select_n3A_664, %select_n3A_673 : vector<16xi1>, vector<16xi32>
        %gt3A_697 = arith.cmpf ogt, %select_n3A_681, %select_n3A_690 : vector<16xf32>
        %eq3A_698 = arith.cmpf oeq, %select_n3A_681, %select_n3A_690 : vector<16xf32>
        %lt3A_699 = arith.cmpi slt, %select_n3A_682, %select_n3A_691 : vector<16xi32>
        %and3A_700 = arith.andi %eq3A_698, %lt3A_699 : vector<16xi1>
        %or3A_701 = arith.ori %gt3A_697, %and3A_700 : vector<16xi1>
        %select_n3A_702 = arith.select %or3A_701, %select_n3A_681, %select_n3A_690 : vector<16xi1>, vector<16xf32>
        %select_n3A_703 = arith.select %or3A_701, %select_n3A_682, %select_n3A_691 : vector<16xi1>, vector<16xi32>
        %gt3A_704 = arith.cmpf ogt, %select_n3A_695, %select_n3A_702 : vector<16xf32>
        %eq3A_705 = arith.cmpf oeq, %select_n3A_695, %select_n3A_702 : vector<16xf32>
        %lt3A_706 = arith.cmpi slt, %select_n3A_696, %select_n3A_703 : vector<16xi32>
        %and3A_707 = arith.andi %eq3A_705, %lt3A_706 : vector<16xi1>
        %or3A_708 = arith.ori %gt3A_704, %and3A_707 : vector<16xi1>
        %select_n3A_709 = arith.select %or3A_708, %select_n3A_695, %select_n3A_702 : vector<16xi1>, vector<16xf32>
        %select_n3A_710 = arith.select %or3A_708, %select_n3A_696, %select_n3A_703 : vector<16xi1>, vector<16xi32>
        %reduce_max3A = arith.constant true
        %reduce_max3A_711 = vector.broadcast %reduce_max3A : i1 to vector<16xi1>
        %reduce_max3A_712 = tpu.scan <max>, %select_n3A_709 masked %reduce_max3A_711 : vector<16xf32>, vector<16xi1> -> vector<16xf32>
        %reduce_max3A_713 = vector.extract %reduce_max3A_712[15] : f32 from vector<16xf32>
        %eq3A_714 = vector.broadcast %reduce_max3A_713 : f32 to vector<16xf32>
        %eq3A_715 = arith.cmpf oeq, %select_n3A_709, %eq3A_714 : vector<16xf32>
        %select_n3A_716 = arith.select %eq3A_715, %select_n3A_710, %broadcast_in_dim3A_9 : vector<16xi1>, vector<16xi32>
        %reduce_min3A = arith.constant true
        %reduce_min3A_717 = vector.broadcast %reduce_min3A : i1 to vector<16xi1>
        %reduce_min3A_718 = arith.constant -2147483648 : i32
        %reduce_min3A_719 = vector.broadcast %reduce_min3A_718 : i32 to vector<16xi32>
        %reduce_min3A_720 = arith.xori %select_n3A_716, %reduce_min3A_719 : vector<16xi32>
        %reduce_min3A_721 = tpu.scan <min>, %reduce_min3A_720 masked %reduce_min3A_717 : vector<16xi32>, vector<16xi1> -> vector<16xi32>
        %reduce_min3A_722 = arith.xori %reduce_min3A_721, %reduce_min3A_719 : vector<16xi32>
        %reduce_min3A_723 = vector.extract %reduce_min3A_722[15] : i32 from vector<16xi32>
        %shift_right_arithmetic3A_724 = arith.constant 7 : i32
        %shift_right_arithmetic3A_725 = arith.shrsi %reduce_min3A_723, %shift_right_arithmetic3A_724 : i32
        %mul3A_726 = arith.constant 1024 : i32
        %mul3A_727 = arith.muli %shift_right_arithmetic3A_725, %mul3A_726 : i32
        %add3A_728 = arith.addi %add3A_129, %mul3A_727 : i32
        %and3A_729 = arith.constant 127 : i32
        %and3A_730 = arith.andi %reduce_min3A_723, %and3A_729 : i32
        %shift_right_arithmetic3A_731 = arith.constant 4 : i32
        %shift_right_arithmetic3A_732 = arith.shrsi %and3A_730, %shift_right_arithmetic3A_731 : i32
        %mul3A_733 = arith.constant 16 : i32
        %mul3A_734 = arith.muli %shift_right_arithmetic3A_732, %mul3A_733 : i32
        %add3A_735 = arith.addi %add3A_728, %mul3A_734 : i32
        %and3A_736 = arith.constant 15 : i32
        %and3A_737 = arith.andi %reduce_min3A_723, %and3A_736 : i32
        %eq3A_738 = vector.broadcast %and3A_737 : i32 to vector<16xi32>
        %eq3A_739 = arith.cmpi eq, %iota3A, %eq3A_738 : vector<16xi32>
        %jit3A = arith.constant 0.000000e+00 : f32
        %broadcast_in_dim3A_740 = vector.broadcast %reduce_max3A_713 : f32 to vector<16xf32>
        %broadcast_in_dim3A_741 = vector.broadcast %jit3A : f32 to vector<16xf32>
        %select_n3A_742 = arith.select %eq3A_739, %broadcast_in_dim3A_740, %broadcast_in_dim3A_741 : vector<16xi1>, vector<16xf32>
        %swap3A = arith.index_cast %add3A_735 : i32 to index
        %swap3A_743 = tpu.vector_load %arg6[%swap3A] {strides = array<i32>} : memref<24576xf32, #tpu.memory_space<vmem>>, vector<16xf32>,
        tpu.vector_store %arg6[%swap3A], %select_n3A_742 {strides = array<i32>} : memref<24576xf32, #tpu.memory_space<vmem>>, vector<16xf32>,
        %swap3A_744 = arith.index_cast %scan3A_121 : i32 to index
        %swap3A_745 = memref.load %arg8[%swap3A_744] : memref<32xi32, #tpu.memory_space<smem>>
        memref.store %add3A_735, %arg8[%swap3A_744] : memref<32xi32, #tpu.memory_space<smem>>
        %scan3A_746 = arith.constant 0 : i32
        scf.yield %scan3A_746 : i32
      }
      %scan3A_75 = arith.constant 32 : i32
      %mul3A_76 = arith.constant 24576 : i32
      %mul3A_77 = arith.muli %add3A_61, %mul3A_76 : i32
      %add3A_78 = arith.addi %mul3A_4, %mul3A_77 : i32
      %dma_start3A_79 = tpu.memref_slice %arg3[%add3A_78] : memref<25165824xf32, #tpu.memory_space<hbm>> -> memref<24576xf32, #tpu.memory_space<hbm>>
      %dma_start3A_80 = tpu.memref_slice %arg3[%add3A_78] : memref<25165824xf32, #tpu.memory_space<hbm>> -> memref<24576xf32, #tpu.memory_space<hbm>>
      tpu.enqueue_dma source(%arg6 : memref<24576xf32, #tpu.memory_space<vmem>>) target(%dma_start3A_80 : memref<24576xf32, #tpu.memory_space<hbm>>) target_semaphore(%arg12 : memref<!tpu.dma_semaphore, #tpu.memory_space<semaphore_mem>>)
      %add3A_81 = arith.constant 2 : i32
      %add3A_82 = arith.addi %add3A_61, %add3A_81 : i32
      %lt3A = arith.constant 32 : i32
      %lt3A_83 = arith.cmpi slt, %add3A_82, %lt3A : i32
      %convert_element_type3A_84 = arith.extui %lt3A_83 : i1 to i32
      %cond3A_85 = arith.constant 0 : i32
      %cond3A_86 = arith.cmpi ne, %convert_element_type3A_84, %cond3A_85 : i32
      scf.if %cond3A_86 {
        %add3A_121 = arith.constant 2 : i32
        %add3A_122 = arith.addi %add3A_61, %add3A_121 : i32
        %mul3A_123 = arith.constant 24576 : i32
        %mul3A_124 = arith.muli %add3A_122, %mul3A_123 : i32
        %add3A_125 = arith.addi %mul3A_4, %mul3A_124 : i32
        %dma_start3A_126 = tpu.memref_slice %arg2[%add3A_125] : memref<25165824xf32, #tpu.memory_space<hbm>> -> memref<24576xf32, #tpu.memory_space<hbm>>
        %dma_start3A_127 = tpu.memref_slice %arg2[%add3A_125] : memref<25165824xf32, #tpu.memory_space<hbm>> -> memref<24576xf32, #tpu.memory_space<hbm>>
        tpu.enqueue_dma source(%dma_start3A_127 : memref<24576xf32, #tpu.memory_space<hbm>>) target(%arg4 : memref<24576xf32, #tpu.memory_space<vmem>>) target_semaphore(%arg10 : memref<!tpu.dma_semaphore, #tpu.memory_space<semaphore_mem>>)
      } else {
      }
      %mul3A_87 = arith.constant 2 : i32
      %mul3A_88 = arith.muli %mul3A_87, %scan3A_56 : i32
      %add3A_89 = arith.constant 1 : i32
      %add3A_90 = arith.addi %mul3A_88, %add3A_89 : i32
      %mul3A_91 = arith.constant 24576 : i32
      %mul3A_92 = arith.muli %add3A_90, %mul3A_91 : i32
      %add3A_93 = arith.addi %mul3A_4, %mul3A_92 : i32
      %dma_wait3A_94 = tpu.memref_slice %arg2[%add3A_93] : memref<25165824xf32, #tpu.memory_space<hbm>> -> memref<24576xf32, #tpu.memory_space<hbm>>
      %dma_wait3A_95 = tpu.memref_slice %arg2[%add3A_93] : memref<25165824xf32, #tpu.memory_space<hbm>> -> memref<24576xf32, #tpu.memory_space<hbm>>
      tpu.wait_dma2 semaphore(%arg11 : memref<!tpu.dma_semaphore, #tpu.memory_space<semaphore_mem>>) src(%dma_wait3A_95 : memref<24576xf32, #tpu.memory_space<hbm>>) dst(%arg5 : memref<24576xf32, #tpu.memory_space<vmem>>)
      %gt3A_96 = arith.constant 0 : i32
      %gt3A_97 = arith.cmpi sgt, %scan3A_56, %gt3A_96 : i32
      %convert_element_type3A_98 = arith.extui %gt3A_97 : i1 to i32
      %cond3A_99 = arith.constant 0 : i32
      %cond3A_100 = arith.cmpi ne, %convert_element_type3A_98, %cond3A_99 : i32
      scf.if %cond3A_100 {
        %sub3A = arith.constant 2 : i32
        %sub3A_121 = arith.subi %add3A_90, %sub3A : i32
        %mul3A_122 = arith.constant 24576 : i32
        %mul3A_123 = arith.muli %sub3A_121, %mul3A_122 : i32
        %add3A_124 = arith.addi %mul3A_4, %mul3A_123 : i32
        %dma_wait3A_125 = tpu.memref_slice %arg3[%add3A_124] : memref<25165824xf32, #tpu.memory_space<hbm>> -> memref<24576xf32, #tpu.memory_space<hbm>>
        %dma_wait3A_126 = tpu.memref_slice %arg3[%add3A_124] : memref<25165824xf32, #tpu.memory_space<hbm>> -> memref<24576xf32, #tpu.memory_space<hbm>>
        tpu.wait_dma2 semaphore(%arg13 : memref<!tpu.dma_semaphore, #tpu.memory_space<semaphore_mem>>) src(%arg7 : memref<24576xf32, #tpu.memory_space<vmem>>) dst(%dma_wait3A_126 : memref<24576xf32, #tpu.memory_space<hbm>>)
        %scan3A_127 = arith.constant 0 : i32
        %scan3A_128 = arith.constant 0 : i32
        %scan3A_129 = arith.constant 32 : i32
        %scan3A_130 = arith.addi %scan3A_128, %scan3A_129 : i32
        %scan3A_131 = arith.constant 1 : i32
        %scan3A_132 = scf.for %scan3A_134 = %scan3A_128 to %scan3A_130 step %scan3A_131 iter_args(%scan3A_135 = %scan3A_127) -> (i32)  : i32 {
          %get3A = arith.index_cast %scan3A_134 : i32 to index
          %get3A_136 = memref.load %arg9[%get3A] : memref<32xi32, #tpu.memory_space<smem>>
          %swap3A = arith.index_cast %get3A_136 : i32 to index
          %swap3A_137 = tpu.vector_load %arg7[%swap3A] {strides = array<i32>} : memref<24576xf32, #tpu.memory_space<vmem>>, vector<16xf32>,
          tpu.vector_store %arg7[%swap3A], %broadcast_in_dim3A_7 {strides = array<i32>} : memref<24576xf32, #tpu.memory_space<vmem>>, vector<16xf32>,
          %scan3A_138 = arith.constant 0 : i32
          scf.yield %scan3A_138 : i32
        }
        %scan3A_133 = arith.constant 32 : i32
      } else {
      }
      %scan3A_101 = arith.constant 0 : i32
      %scan3A_102 = arith.constant 0 : i32
      %scan3A_103 = arith.constant 32 : i32
      %scan3A_104 = arith.addi %scan3A_102, %scan3A_103 : i32
      %scan3A_105 = arith.constant 1 : i32
      %scan3A_106 = scf.for %scan3A_121 = %scan3A_102 to %scan3A_104 step %scan3A_105 iter_args(%scan3A_122 = %scan3A_101) -> (i32)  : i32 {
        %shift_right_arithmetic3A = arith.constant 3 : i32
        %shift_right_arithmetic3A_123 = arith.shrsi %scan3A_121, %shift_right_arithmetic3A : i32
        %mul3A_124 = arith.constant 6144 : i32
        %mul3A_125 = arith.muli %shift_right_arithmetic3A_123, %mul3A_124 : i32
        %and3A = arith.constant 7 : i32
        %and3A_126 = arith.andi %scan3A_121, %and3A : i32
        %mul3A_127 = arith.constant 128 : i32
        %mul3A_128 = arith.muli %and3A_126, %mul3A_127 : i32
        %add3A_129 = arith.addi %mul3A_125, %mul3A_128 : i32
        %add3A_130 = arith.constant 0 : i32
        %add3A_131 = arith.addi %add3A_129, %add3A_130 : i32
        %add3A_132 = arith.constant 0 : i32
        %add3A_133 = arith.addi %add3A_131, %add3A_132 : i32
        %get3A = arith.index_cast %add3A_133 : i32 to index
        %get3A_134 = tpu.vector_load %arg5[%get3A] {strides = array<i32>} : memref<24576xf32, #tpu.memory_space<vmem>>, vector<16xf32>,
        %gt3A_135 = arith.cmpf ogt, %get3A_134, %broadcast_in_dim3A_5 : vector<16xf32>
        %select_n3A = arith.select %gt3A_135, %get3A_134, %broadcast_in_dim3A_5 : vector<16xi1>, vector<16xf32>
        %select_n3A_136 = arith.select %gt3A_135, %add3A_12, %add3A_12 : vector<16xi1>, vector<16xi32>
        %add3A_137 = arith.constant 64 : i32
        %add3A_138 = vector.broadcast %add3A_137 : i32 to vector<16xi32>
        %add3A_139 = arith.addi %add3A_12, %add3A_138 : vector<16xi32>
        %add3A_140 = arith.constant 0 : i32
        %add3A_141 = arith.addi %add3A_129, %add3A_140 : i32
        %add3A_142 = arith.constant 16 : i32
        %add3A_143 = arith.addi %add3A_141, %add3A_142 : i32
        %get3A_144 = arith.index_cast %add3A_143 : i32 to index
        %get3A_145 = tpu.vector_load %arg5[%get3A_144] {strides = array<i32>} : memref<24576xf32, #tpu.memory_space<vmem>>, vector<16xf32>,
        %gt3A_146 = arith.cmpf ogt, %get3A_145, %broadcast_in_dim3A_5 : vector<16xf32>
        %select_n3A_147 = arith.select %gt3A_146, %get3A_145, %broadcast_in_dim3A_5 : vector<16xi1>, vector<16xf32>
        %select_n3A_148 = arith.select %gt3A_146, %add3A_15, %add3A_15 : vector<16xi1>, vector<16xi32>
        %add3A_149 = arith.constant 64 : i32
        %add3A_150 = vector.broadcast %add3A_149 : i32 to vector<16xi32>
        %add3A_151 = arith.addi %add3A_15, %add3A_150 : vector<16xi32>
        %add3A_152 = arith.constant 0 : i32
        %add3A_153 = arith.addi %add3A_129, %add3A_152 : i32
        %add3A_154 = arith.constant 32 : i32
        %add3A_155 = arith.addi %add3A_153, %add3A_154 : i32
        %get3A_156 = arith.index_cast %add3A_155 : i32 to index
        %get3A_157 = tpu.vector_load %arg5[%get3A_156] {strides = array<i32>} : memref<24576xf32, #tpu.memory_space<vmem>>, vector<16xf32>,
        %gt3A_158 = arith.cmpf ogt, %get3A_157, %broadcast_in_dim3A_5 : vector<16xf32>
        %select_n3A_159 = arith.select %gt3A_158, %get3A_157, %broadcast_in_dim3A_5 : vector<16xi1>, vector<16xf32>
        %select_n3A_160 = arith.select %gt3A_158, %add3A_18, %add3A_18 : vector<16xi1>, vector<16xi32>
        %add3A_161 = arith.constant 64 : i32
        %add3A_162 = vector.broadcast %add3A_161 : i32 to vector<16xi32>
        %add3A_163 = arith.addi %add3A_18, %add3A_162 : vector<16xi32>
        %add3A_164 = arith.constant 0 : i32
        %add3A_165 = arith.addi %add3A_129, %add3A_164 : i32
        %add3A_166 = arith.constant 48 : i32
        %add3A_167 = arith.addi %add3A_165, %add3A_166 : i32
        %get3A_168 = arith.index_cast %add3A_167 : i32 to index
        %get3A_169 = tpu.vector_load %arg5[%get3A_168] {strides = array<i32>} : memref<24576xf32, #tpu.memory_space<vmem>>, vector<16xf32>,
        %gt3A_170 = arith.cmpf ogt, %get3A_169, %broadcast_in_dim3A_5 : vector<16xf32>
        %select_n3A_171 = arith.select %gt3A_170, %get3A_169, %broadcast_in_dim3A_5 : vector<16xi1>, vector<16xf32>
        %select_n3A_172 = arith.select %gt3A_170, %add3A_21, %add3A_21 : vector<16xi1>, vector<16xi32>
        %add3A_173 = arith.constant 64 : i32
        %add3A_174 = vector.broadcast %add3A_173 : i32 to vector<16xi32>
        %add3A_175 = arith.addi %add3A_21, %add3A_174 : vector<16xi32>
        %add3A_176 = arith.constant 0 : i32
        %add3A_177 = arith.addi %add3A_129, %add3A_176 : i32
        %add3A_178 = arith.constant 64 : i32
        %add3A_179 = arith.addi %add3A_177, %add3A_178 : i32
        %get3A_180 = arith.index_cast %add3A_179 : i32 to index
        %get3A_181 = tpu.vector_load %arg5[%get3A_180] {strides = array<i32>} : memref<24576xf32, #tpu.memory_space<vmem>>, vector<16xf32>,
        %gt3A_182 = arith.cmpf ogt, %get3A_181, %select_n3A : vector<16xf32>
        %select_n3A_183 = arith.select %gt3A_182, %get3A_181, %select_n3A : vector<16xi1>, vector<16xf32>
        %select_n3A_184 = arith.select %gt3A_182, %add3A_139, %select_n3A_136 : vector<16xi1>, vector<16xi32>
        %add3A_185 = arith.constant 64 : i32
        %add3A_186 = vector.broadcast %add3A_185 : i32 to vector<16xi32>
        %add3A_187 = arith.addi %add3A_139, %add3A_186 : vector<16xi32>
        %add3A_188 = arith.constant 0 : i32
        %add3A_189 = arith.addi %add3A_129, %add3A_188 : i32
        %add3A_190 = arith.constant 80 : i32
        %add3A_191 = arith.addi %add3A_189, %add3A_190 : i32
        %get3A_192 = arith.index_cast %add3A_191 : i32 to index
        %get3A_193 = tpu.vector_load %arg5[%get3A_192] {strides = array<i32>} : memref<24576xf32, #tpu.memory_space<vmem>>, vector<16xf32>,
        %gt3A_194 = arith.cmpf ogt, %get3A_193, %select_n3A_147 : vector<16xf32>
        %select_n3A_195 = arith.select %gt3A_194, %get3A_193, %select_n3A_147 : vector<16xi1>, vector<16xf32>
        %select_n3A_196 = arith.select %gt3A_194, %add3A_151, %select_n3A_148 : vector<16xi1>, vector<16xi32>
        %add3A_197 = arith.constant 64 : i32
        %add3A_198 = vector.broadcast %add3A_197 : i32 to vector<16xi32>
        %add3A_199 = arith.addi %add3A_151, %add3A_198 : vector<16xi32>
        %add3A_200 = arith.constant 0 : i32
        %add3A_201 = arith.addi %add3A_129, %add3A_200 : i32
        %add3A_202 = arith.constant 96 : i32
        %add3A_203 = arith.addi %add3A_201, %add3A_202 : i32
        %get3A_204 = arith.index_cast %add3A_203 : i32 to index
        %get3A_205 = tpu.vector_load %arg5[%get3A_204] {strides = array<i32>} : memref<24576xf32, #tpu.memory_space<vmem>>, vector<16xf32>,
        %gt3A_206 = arith.cmpf ogt, %get3A_205, %select_n3A_159 : vector<16xf32>
        %select_n3A_207 = arith.select %gt3A_206, %get3A_205, %select_n3A_159 : vector<16xi1>, vector<16xf32>
        %select_n3A_208 = arith.select %gt3A_206, %add3A_163, %select_n3A_160 : vector<16xi1>, vector<16xi32>
        %add3A_209 = arith.constant 64 : i32
        %add3A_210 = vector.broadcast %add3A_209 : i32 to vector<16xi32>
        %add3A_211 = arith.addi %add3A_163, %add3A_210 : vector<16xi32>
        %add3A_212 = arith.constant 0 : i32
        %add3A_213 = arith.addi %add3A_129, %add3A_212 : i32
        %add3A_214 = arith.constant 112 : i32
        %add3A_215 = arith.addi %add3A_213, %add3A_214 : i32
        %get3A_216 = arith.index_cast %add3A_215 : i32 to index
        %get3A_217 = tpu.vector_load %arg5[%get3A_216] {strides = array<i32>} : memref<24576xf32, #tpu.memory_space<vmem>>, vector<16xf32>,
        %gt3A_218 = arith.cmpf ogt, %get3A_217, %select_n3A_171 : vector<16xf32>
        %select_n3A_219 = arith.select %gt3A_218, %get3A_217, %select_n3A_171 : vector<16xi1>, vector<16xf32>
        %select_n3A_220 = arith.select %gt3A_218, %add3A_175, %select_n3A_172 : vector<16xi1>, vector<16xi32>
        %add3A_221 = arith.constant 64 : i32
        %add3A_222 = vector.broadcast %add3A_221 : i32 to vector<16xi32>
        %add3A_223 = arith.addi %add3A_175, %add3A_222 : vector<16xi32>
        %add3A_224 = arith.constant 1024 : i32
        %add3A_225 = arith.addi %add3A_129, %add3A_224 : i32
        %add3A_226 = arith.constant 0 : i32
        %add3A_227 = arith.addi %add3A_225, %add3A_226 : i32
        %get3A_228 = arith.index_cast %add3A_227 : i32 to index
        %get3A_229 = tpu.vector_load %arg5[%get3A_228] {strides = array<i32>} : memref<24576xf32, #tpu.memory_space<vmem>>, vector<16xf32>,
        %gt3A_230 = arith.cmpf ogt, %get3A_229, %select_n3A_183 : vector<16xf32>
        %select_n3A_231 = arith.select %gt3A_230, %get3A_229, %select_n3A_183 : vector<16xi1>, vector<16xf32>
        %select_n3A_232 = arith.select %gt3A_230, %add3A_187, %select_n3A_184 : vector<16xi1>, vector<16xi32>
        %add3A_233 = arith.constant 64 : i32
        %add3A_234 = vector.broadcast %add3A_233 : i32 to vector<16xi32>
        %add3A_235 = arith.addi %add3A_187, %add3A_234 : vector<16xi32>
        %add3A_236 = arith.constant 1024 : i32
        %add3A_237 = arith.addi %add3A_129, %add3A_236 : i32
        %add3A_238 = arith.constant 16 : i32
        %add3A_239 = arith.addi %add3A_237, %add3A_238 : i32
        %get3A_240 = arith.index_cast %add3A_239 : i32 to index
        %get3A_241 = tpu.vector_load %arg5[%get3A_240] {strides = array<i32>} : memref<24576xf32, #tpu.memory_space<vmem>>, vector<16xf32>,
        %gt3A_242 = arith.cmpf ogt, %get3A_241, %select_n3A_195 : vector<16xf32>
        %select_n3A_243 = arith.select %gt3A_242, %get3A_241, %select_n3A_195 : vector<16xi1>, vector<16xf32>
        %select_n3A_244 = arith.select %gt3A_242, %add3A_199, %select_n3A_196 : vector<16xi1>, vector<16xi32>
        %add3A_245 = arith.constant 64 : i32
        %add3A_246 = vector.broadcast %add3A_245 : i32 to vector<16xi32>
        %add3A_247 = arith.addi %add3A_199, %add3A_246 : vector<16xi32>
        %add3A_248 = arith.constant 1024 : i32
        %add3A_249 = arith.addi %add3A_129, %add3A_248 : i32
        %add3A_250 = arith.constant 32 : i32
        %add3A_251 = arith.addi %add3A_249, %add3A_250 : i32
        %get3A_252 = arith.index_cast %add3A_251 : i32 to index
        %get3A_253 = tpu.vector_load %arg5[%get3A_252] {strides = array<i32>} : memref<24576xf32, #tpu.memory_space<vmem>>, vector<16xf32>,
        %gt3A_254 = arith.cmpf ogt, %get3A_253, %select_n3A_207 : vector<16xf32>
        %select_n3A_255 = arith.select %gt3A_254, %get3A_253, %select_n3A_207 : vector<16xi1>, vector<16xf32>
        %select_n3A_256 = arith.select %gt3A_254, %add3A_211, %select_n3A_208 : vector<16xi1>, vector<16xi32>
        %add3A_257 = arith.constant 64 : i32
        %add3A_258 = vector.broadcast %add3A_257 : i32 to vector<16xi32>
        %add3A_259 = arith.addi %add3A_211, %add3A_258 : vector<16xi32>
        %add3A_260 = arith.constant 1024 : i32
        %add3A_261 = arith.addi %add3A_129, %add3A_260 : i32
        %add3A_262 = arith.constant 48 : i32
        %add3A_263 = arith.addi %add3A_261, %add3A_262 : i32
        %get3A_264 = arith.index_cast %add3A_263 : i32 to index
        %get3A_265 = tpu.vector_load %arg5[%get3A_264] {strides = array<i32>} : memref<24576xf32, #tpu.memory_space<vmem>>, vector<16xf32>,
        %gt3A_266 = arith.cmpf ogt, %get3A_265, %select_n3A_219 : vector<16xf32>
        %select_n3A_267 = arith.select %gt3A_266, %get3A_265, %select_n3A_219 : vector<16xi1>, vector<16xf32>
        %select_n3A_268 = arith.select %gt3A_266, %add3A_223, %select_n3A_220 : vector<16xi1>, vector<16xi32>
        %add3A_269 = arith.constant 64 : i32
        %add3A_270 = vector.broadcast %add3A_269 : i32 to vector<16xi32>
        %add3A_271 = arith.addi %add3A_223, %add3A_270 : vector<16xi32>
        %add3A_272 = arith.constant 1024 : i32
        %add3A_273 = arith.addi %add3A_129, %add3A_272 : i32
        %add3A_274 = arith.constant 64 : i32
        %add3A_275 = arith.addi %add3A_273, %add3A_274 : i32
        %get3A_276 = arith.index_cast %add3A_275 : i32 to index
        %get3A_277 = tpu.vector_load %arg5[%get3A_276] {strides = array<i32>} : memref<24576xf32, #tpu.memory_space<vmem>>, vector<16xf32>,
        %gt3A_278 = arith.cmpf ogt, %get3A_277, %select_n3A_231 : vector<16xf32>
        %select_n3A_279 = arith.select %gt3A_278, %get3A_277, %select_n3A_231 : vector<16xi1>, vector<16xf32>
        %select_n3A_280 = arith.select %gt3A_278, %add3A_235, %select_n3A_232 : vector<16xi1>, vector<16xi32>
        %add3A_281 = arith.constant 64 : i32
        %add3A_282 = vector.broadcast %add3A_281 : i32 to vector<16xi32>
        %add3A_283 = arith.addi %add3A_235, %add3A_282 : vector<16xi32>
        %add3A_284 = arith.constant 1024 : i32
        %add3A_285 = arith.addi %add3A_129, %add3A_284 : i32
        %add3A_286 = arith.constant 80 : i32
        %add3A_287 = arith.addi %add3A_285, %add3A_286 : i32
        %get3A_288 = arith.index_cast %add3A_287 : i32 to index
        %get3A_289 = tpu.vector_load %arg5[%get3A_288] {strides = array<i32>} : memref<24576xf32, #tpu.memory_space<vmem>>, vector<16xf32>,
        %gt3A_290 = arith.cmpf ogt, %get3A_289, %select_n3A_243 : vector<16xf32>
        %select_n3A_291 = arith.select %gt3A_290, %get3A_289, %select_n3A_243 : vector<16xi1>, vector<16xf32>
        %select_n3A_292 = arith.select %gt3A_290, %add3A_247, %select_n3A_244 : vector<16xi1>, vector<16xi32>
        %add3A_293 = arith.constant 64 : i32
        %add3A_294 = vector.broadcast %add3A_293 : i32 to vector<16xi32>
        %add3A_295 = arith.addi %add3A_247, %add3A_294 : vector<16xi32>
        %add3A_296 = arith.constant 1024 : i32
        %add3A_297 = arith.addi %add3A_129, %add3A_296 : i32
        %add3A_298 = arith.constant 96 : i32
        %add3A_299 = arith.addi %add3A_297, %add3A_298 : i32
        %get3A_300 = arith.index_cast %add3A_299 : i32 to index
        %get3A_301 = tpu.vector_load %arg5[%get3A_300] {strides = array<i32>} : memref<24576xf32, #tpu.memory_space<vmem>>, vector<16xf32>,
        %gt3A_302 = arith.cmpf ogt, %get3A_301, %select_n3A_255 : vector<16xf32>
        %select_n3A_303 = arith.select %gt3A_302, %get3A_301, %select_n3A_255 : vector<16xi1>, vector<16xf32>
        %select_n3A_304 = arith.select %gt3A_302, %add3A_259, %select_n3A_256 : vector<16xi1>, vector<16xi32>
        %add3A_305 = arith.constant 64 : i32
        %add3A_306 = vector.broadcast %add3A_305 : i32 to vector<16xi32>
        %add3A_307 = arith.addi %add3A_259, %add3A_306 : vector<16xi32>
        %add3A_308 = arith.constant 1024 : i32
        %add3A_309 = arith.addi %add3A_129, %add3A_308 : i32
        %add3A_310 = arith.constant 112 : i32
        %add3A_311 = arith.addi %add3A_309, %add3A_310 : i32
        %get3A_312 = arith.index_cast %add3A_311 : i32 to index
        %get3A_313 = tpu.vector_load %arg5[%get3A_312] {strides = array<i32>} : memref<24576xf32, #tpu.memory_space<vmem>>, vector<16xf32>,
        %gt3A_314 = arith.cmpf ogt, %get3A_313, %select_n3A_267 : vector<16xf32>
        %select_n3A_315 = arith.select %gt3A_314, %get3A_313, %select_n3A_267 : vector<16xi1>, vector<16xf32>
        %select_n3A_316 = arith.select %gt3A_314, %add3A_271, %select_n3A_268 : vector<16xi1>, vector<16xi32>
        %add3A_317 = arith.constant 64 : i32
        %add3A_318 = vector.broadcast %add3A_317 : i32 to vector<16xi32>
        %add3A_319 = arith.addi %add3A_271, %add3A_318 : vector<16xi32>
        %add3A_320 = arith.constant 2048 : i32
        %add3A_321 = arith.addi %add3A_129, %add3A_320 : i32
        %add3A_322 = arith.constant 0 : i32
        %add3A_323 = arith.addi %add3A_321, %add3A_322 : i32
        %get3A_324 = arith.index_cast %add3A_323 : i32 to index
        %get3A_325 = tpu.vector_load %arg5[%get3A_324] {strides = array<i32>} : memref<24576xf32, #tpu.memory_space<vmem>>, vector<16xf32>,
        %gt3A_326 = arith.cmpf ogt, %get3A_325, %select_n3A_279 : vector<16xf32>
        %select_n3A_327 = arith.select %gt3A_326, %get3A_325, %select_n3A_279 : vector<16xi1>, vector<16xf32>
        %select_n3A_328 = arith.select %gt3A_326, %add3A_283, %select_n3A_280 : vector<16xi1>, vector<16xi32>
        %add3A_329 = arith.constant 64 : i32
        %add3A_330 = vector.broadcast %add3A_329 : i32 to vector<16xi32>
        %add3A_331 = arith.addi %add3A_283, %add3A_330 : vector<16xi32>
        %add3A_332 = arith.constant 2048 : i32
        %add3A_333 = arith.addi %add3A_129, %add3A_332 : i32
        %add3A_334 = arith.constant 16 : i32
        %add3A_335 = arith.addi %add3A_333, %add3A_334 : i32
        %get3A_336 = arith.index_cast %add3A_335 : i32 to index
        %get3A_337 = tpu.vector_load %arg5[%get3A_336] {strides = array<i32>} : memref<24576xf32, #tpu.memory_space<vmem>>, vector<16xf32>,
        %gt3A_338 = arith.cmpf ogt, %get3A_337, %select_n3A_291 : vector<16xf32>
        %select_n3A_339 = arith.select %gt3A_338, %get3A_337, %select_n3A_291 : vector<16xi1>, vector<16xf32>
        %select_n3A_340 = arith.select %gt3A_338, %add3A_295, %select_n3A_292 : vector<16xi1>, vector<16xi32>
        %add3A_341 = arith.constant 64 : i32
        %add3A_342 = vector.broadcast %add3A_341 : i32 to vector<16xi32>
        %add3A_343 = arith.addi %add3A_295, %add3A_342 : vector<16xi32>
        %add3A_344 = arith.constant 2048 : i32
        %add3A_345 = arith.addi %add3A_129, %add3A_344 : i32
        %add3A_346 = arith.constant 32 : i32
        %add3A_347 = arith.addi %add3A_345, %add3A_346 : i32
        %get3A_348 = arith.index_cast %add3A_347 : i32 to index
        %get3A_349 = tpu.vector_load %arg5[%get3A_348] {strides = array<i32>} : memref<24576xf32, #tpu.memory_space<vmem>>, vector<16xf32>,
        %gt3A_350 = arith.cmpf ogt, %get3A_349, %select_n3A_303 : vector<16xf32>
        %select_n3A_351 = arith.select %gt3A_350, %get3A_349, %select_n3A_303 : vector<16xi1>, vector<16xf32>
        %select_n3A_352 = arith.select %gt3A_350, %add3A_307, %select_n3A_304 : vector<16xi1>, vector<16xi32>
        %add3A_353 = arith.constant 64 : i32
        %add3A_354 = vector.broadcast %add3A_353 : i32 to vector<16xi32>
        %add3A_355 = arith.addi %add3A_307, %add3A_354 : vector<16xi32>
        %add3A_356 = arith.constant 2048 : i32
        %add3A_357 = arith.addi %add3A_129, %add3A_356 : i32
        %add3A_358 = arith.constant 48 : i32
        %add3A_359 = arith.addi %add3A_357, %add3A_358 : i32
        %get3A_360 = arith.index_cast %add3A_359 : i32 to index
        %get3A_361 = tpu.vector_load %arg5[%get3A_360] {strides = array<i32>} : memref<24576xf32, #tpu.memory_space<vmem>>, vector<16xf32>,
        %gt3A_362 = arith.cmpf ogt, %get3A_361, %select_n3A_315 : vector<16xf32>
        %select_n3A_363 = arith.select %gt3A_362, %get3A_361, %select_n3A_315 : vector<16xi1>, vector<16xf32>
        %select_n3A_364 = arith.select %gt3A_362, %add3A_319, %select_n3A_316 : vector<16xi1>, vector<16xi32>
        %add3A_365 = arith.constant 64 : i32
        %add3A_366 = vector.broadcast %add3A_365 : i32 to vector<16xi32>
        %add3A_367 = arith.addi %add3A_319, %add3A_366 : vector<16xi32>
        %add3A_368 = arith.constant 2048 : i32
        %add3A_369 = arith.addi %add3A_129, %add3A_368 : i32
        %add3A_370 = arith.constant 64 : i32
        %add3A_371 = arith.addi %add3A_369, %add3A_370 : i32
        %get3A_372 = arith.index_cast %add3A_371 : i32 to index
        %get3A_373 = tpu.vector_load %arg5[%get3A_372] {strides = array<i32>} : memref<24576xf32, #tpu.memory_space<vmem>>, vector<16xf32>,
        %gt3A_374 = arith.cmpf ogt, %get3A_373, %select_n3A_327 : vector<16xf32>
        %select_n3A_375 = arith.select %gt3A_374, %get3A_373, %select_n3A_327 : vector<16xi1>, vector<16xf32>
        %select_n3A_376 = arith.select %gt3A_374, %add3A_331, %select_n3A_328 : vector<16xi1>, vector<16xi32>
        %add3A_377 = arith.constant 64 : i32
        %add3A_378 = vector.broadcast %add3A_377 : i32 to vector<16xi32>
        %add3A_379 = arith.addi %add3A_331, %add3A_378 : vector<16xi32>
        %add3A_380 = arith.constant 2048 : i32
        %add3A_381 = arith.addi %add3A_129, %add3A_380 : i32
        %add3A_382 = arith.constant 80 : i32
        %add3A_383 = arith.addi %add3A_381, %add3A_382 : i32
        %get3A_384 = arith.index_cast %add3A_383 : i32 to index
        %get3A_385 = tpu.vector_load %arg5[%get3A_384] {strides = array<i32>} : memref<24576xf32, #tpu.memory_space<vmem>>, vector<16xf32>,
        %gt3A_386 = arith.cmpf ogt, %get3A_385, %select_n3A_339 : vector<16xf32>
        %select_n3A_387 = arith.select %gt3A_386, %get3A_385, %select_n3A_339 : vector<16xi1>, vector<16xf32>
        %select_n3A_388 = arith.select %gt3A_386, %add3A_343, %select_n3A_340 : vector<16xi1>, vector<16xi32>
        %add3A_389 = arith.constant 64 : i32
        %add3A_390 = vector.broadcast %add3A_389 : i32 to vector<16xi32>
        %add3A_391 = arith.addi %add3A_343, %add3A_390 : vector<16xi32>
        %add3A_392 = arith.constant 2048 : i32
        %add3A_393 = arith.addi %add3A_129, %add3A_392 : i32
        %add3A_394 = arith.constant 96 : i32
        %add3A_395 = arith.addi %add3A_393, %add3A_394 : i32
        %get3A_396 = arith.index_cast %add3A_395 : i32 to index
        %get3A_397 = tpu.vector_load %arg5[%get3A_396] {strides = array<i32>} : memref<24576xf32, #tpu.memory_space<vmem>>, vector<16xf32>,
        %gt3A_398 = arith.cmpf ogt, %get3A_397, %select_n3A_351 : vector<16xf32>
        %select_n3A_399 = arith.select %gt3A_398, %get3A_397, %select_n3A_351 : vector<16xi1>, vector<16xf32>
        %select_n3A_400 = arith.select %gt3A_398, %add3A_355, %select_n3A_352 : vector<16xi1>, vector<16xi32>
        %add3A_401 = arith.constant 64 : i32
        %add3A_402 = vector.broadcast %add3A_401 : i32 to vector<16xi32>
        %add3A_403 = arith.addi %add3A_355, %add3A_402 : vector<16xi32>
        %add3A_404 = arith.constant 2048 : i32
        %add3A_405 = arith.addi %add3A_129, %add3A_404 : i32
        %add3A_406 = arith.constant 112 : i32
        %add3A_407 = arith.addi %add3A_405, %add3A_406 : i32
        %get3A_408 = arith.index_cast %add3A_407 : i32 to index
        %get3A_409 = tpu.vector_load %arg5[%get3A_408] {strides = array<i32>} : memref<24576xf32, #tpu.memory_space<vmem>>, vector<16xf32>,
        %gt3A_410 = arith.cmpf ogt, %get3A_409, %select_n3A_363 : vector<16xf32>
        %select_n3A_411 = arith.select %gt3A_410, %get3A_409, %select_n3A_363 : vector<16xi1>, vector<16xf32>
        %select_n3A_412 = arith.select %gt3A_410, %add3A_367, %select_n3A_364 : vector<16xi1>, vector<16xi32>
        %add3A_413 = arith.constant 64 : i32
        %add3A_414 = vector.broadcast %add3A_413 : i32 to vector<16xi32>
        %add3A_415 = arith.addi %add3A_367, %add3A_414 : vector<16xi32>
        %add3A_416 = arith.constant 3072 : i32
        %add3A_417 = arith.addi %add3A_129, %add3A_416 : i32
        %add3A_418 = arith.constant 0 : i32
        %add3A_419 = arith.addi %add3A_417, %add3A_418 : i32
        %get3A_420 = arith.index_cast %add3A_419 : i32 to index
        %get3A_421 = tpu.vector_load %arg5[%get3A_420] {strides = array<i32>} : memref<24576xf32, #tpu.memory_space<vmem>>, vector<16xf32>,
        %gt3A_422 = arith.cmpf ogt, %get3A_421, %select_n3A_375 : vector<16xf32>
        %select_n3A_423 = arith.select %gt3A_422, %get3A_421, %select_n3A_375 : vector<16xi1>, vector<16xf32>
        %select_n3A_424 = arith.select %gt3A_422, %add3A_379, %select_n3A_376 : vector<16xi1>, vector<16xi32>
        %add3A_425 = arith.constant 64 : i32
        %add3A_426 = vector.broadcast %add3A_425 : i32 to vector<16xi32>
        %add3A_427 = arith.addi %add3A_379, %add3A_426 : vector<16xi32>
        %add3A_428 = arith.constant 3072 : i32
        %add3A_429 = arith.addi %add3A_129, %add3A_428 : i32
        %add3A_430 = arith.constant 16 : i32
        %add3A_431 = arith.addi %add3A_429, %add3A_430 : i32
        %get3A_432 = arith.index_cast %add3A_431 : i32 to index
        %get3A_433 = tpu.vector_load %arg5[%get3A_432] {strides = array<i32>} : memref<24576xf32, #tpu.memory_space<vmem>>, vector<16xf32>,
        %gt3A_434 = arith.cmpf ogt, %get3A_433, %select_n3A_387 : vector<16xf32>
        %select_n3A_435 = arith.select %gt3A_434, %get3A_433, %select_n3A_387 : vector<16xi1>, vector<16xf32>
        %select_n3A_436 = arith.select %gt3A_434, %add3A_391, %select_n3A_388 : vector<16xi1>, vector<16xi32>
        %add3A_437 = arith.constant 64 : i32
        %add3A_438 = vector.broadcast %add3A_437 : i32 to vector<16xi32>
        %add3A_439 = arith.addi %add3A_391, %add3A_438 : vector<16xi32>
        %add3A_440 = arith.constant 3072 : i32
        %add3A_441 = arith.addi %add3A_129, %add3A_440 : i32
        %add3A_442 = arith.constant 32 : i32
        %add3A_443 = arith.addi %add3A_441, %add3A_442 : i32
        %get3A_444 = arith.index_cast %add3A_443 : i32 to index
        %get3A_445 = tpu.vector_load %arg5[%get3A_444] {strides = array<i32>} : memref<24576xf32, #tpu.memory_space<vmem>>, vector<16xf32>,
        %gt3A_446 = arith.cmpf ogt, %get3A_445, %select_n3A_399 : vector<16xf32>
        %select_n3A_447 = arith.select %gt3A_446, %get3A_445, %select_n3A_399 : vector<16xi1>, vector<16xf32>
        %select_n3A_448 = arith.select %gt3A_446, %add3A_403, %select_n3A_400 : vector<16xi1>, vector<16xi32>
        %add3A_449 = arith.constant 64 : i32
        %add3A_450 = vector.broadcast %add3A_449 : i32 to vector<16xi32>
        %add3A_451 = arith.addi %add3A_403, %add3A_450 : vector<16xi32>
        %add3A_452 = arith.constant 3072 : i32
        %add3A_453 = arith.addi %add3A_129, %add3A_452 : i32
        %add3A_454 = arith.constant 48 : i32
        %add3A_455 = arith.addi %add3A_453, %add3A_454 : i32
        %get3A_456 = arith.index_cast %add3A_455 : i32 to index
        %get3A_457 = tpu.vector_load %arg5[%get3A_456] {strides = array<i32>} : memref<24576xf32, #tpu.memory_space<vmem>>, vector<16xf32>,
        %gt3A_458 = arith.cmpf ogt, %get3A_457, %select_n3A_411 : vector<16xf32>
        %select_n3A_459 = arith.select %gt3A_458, %get3A_457, %select_n3A_411 : vector<16xi1>, vector<16xf32>
        %select_n3A_460 = arith.select %gt3A_458, %add3A_415, %select_n3A_412 : vector<16xi1>, vector<16xi32>
        %add3A_461 = arith.constant 64 : i32
        %add3A_462 = vector.broadcast %add3A_461 : i32 to vector<16xi32>
        %add3A_463 = arith.addi %add3A_415, %add3A_462 : vector<16xi32>
        %add3A_464 = arith.constant 3072 : i32
        %add3A_465 = arith.addi %add3A_129, %add3A_464 : i32
        %add3A_466 = arith.constant 64 : i32
        %add3A_467 = arith.addi %add3A_465, %add3A_466 : i32
        %get3A_468 = arith.index_cast %add3A_467 : i32 to index
        %get3A_469 = tpu.vector_load %arg5[%get3A_468] {strides = array<i32>} : memref<24576xf32, #tpu.memory_space<vmem>>, vector<16xf32>,
        %gt3A_470 = arith.cmpf ogt, %get3A_469, %select_n3A_423 : vector<16xf32>
        %select_n3A_471 = arith.select %gt3A_470, %get3A_469, %select_n3A_423 : vector<16xi1>, vector<16xf32>
        %select_n3A_472 = arith.select %gt3A_470, %add3A_427, %select_n3A_424 : vector<16xi1>, vector<16xi32>
        %add3A_473 = arith.constant 64 : i32
        %add3A_474 = vector.broadcast %add3A_473 : i32 to vector<16xi32>
        %add3A_475 = arith.addi %add3A_427, %add3A_474 : vector<16xi32>
        %add3A_476 = arith.constant 3072 : i32
        %add3A_477 = arith.addi %add3A_129, %add3A_476 : i32
        %add3A_478 = arith.constant 80 : i32
        %add3A_479 = arith.addi %add3A_477, %add3A_478 : i32
        %get3A_480 = arith.index_cast %add3A_479 : i32 to index
        %get3A_481 = tpu.vector_load %arg5[%get3A_480] {strides = array<i32>} : memref<24576xf32, #tpu.memory_space<vmem>>, vector<16xf32>,
        %gt3A_482 = arith.cmpf ogt, %get3A_481, %select_n3A_435 : vector<16xf32>
        %select_n3A_483 = arith.select %gt3A_482, %get3A_481, %select_n3A_435 : vector<16xi1>, vector<16xf32>
        %select_n3A_484 = arith.select %gt3A_482, %add3A_439, %select_n3A_436 : vector<16xi1>, vector<16xi32>
        %add3A_485 = arith.constant 64 : i32
        %add3A_486 = vector.broadcast %add3A_485 : i32 to vector<16xi32>
        %add3A_487 = arith.addi %add3A_439, %add3A_486 : vector<16xi32>
        %add3A_488 = arith.constant 3072 : i32
        %add3A_489 = arith.addi %add3A_129, %add3A_488 : i32
        %add3A_490 = arith.constant 96 : i32
        %add3A_491 = arith.addi %add3A_489, %add3A_490 : i32
        %get3A_492 = arith.index_cast %add3A_491 : i32 to index
        %get3A_493 = tpu.vector_load %arg5[%get3A_492] {strides = array<i32>} : memref<24576xf32, #tpu.memory_space<vmem>>, vector<16xf32>,
        %gt3A_494 = arith.cmpf ogt, %get3A_493, %select_n3A_447 : vector<16xf32>
        %select_n3A_495 = arith.select %gt3A_494, %get3A_493, %select_n3A_447 : vector<16xi1>, vector<16xf32>
        %select_n3A_496 = arith.select %gt3A_494, %add3A_451, %select_n3A_448 : vector<16xi1>, vector<16xi32>
        %add3A_497 = arith.constant 64 : i32
        %add3A_498 = vector.broadcast %add3A_497 : i32 to vector<16xi32>
        %add3A_499 = arith.addi %add3A_451, %add3A_498 : vector<16xi32>
        %add3A_500 = arith.constant 3072 : i32
        %add3A_501 = arith.addi %add3A_129, %add3A_500 : i32
        %add3A_502 = arith.constant 112 : i32
        %add3A_503 = arith.addi %add3A_501, %add3A_502 : i32
        %get3A_504 = arith.index_cast %add3A_503 : i32 to index
        %get3A_505 = tpu.vector_load %arg5[%get3A_504] {strides = array<i32>} : memref<24576xf32, #tpu.memory_space<vmem>>, vector<16xf32>,
        %gt3A_506 = arith.cmpf ogt, %get3A_505, %select_n3A_459 : vector<16xf32>
        %select_n3A_507 = arith.select %gt3A_506, %get3A_505, %select_n3A_459 : vector<16xi1>, vector<16xf32>
        %select_n3A_508 = arith.select %gt3A_506, %add3A_463, %select_n3A_460 : vector<16xi1>, vector<16xi32>
        %add3A_509 = arith.constant 64 : i32
        %add3A_510 = vector.broadcast %add3A_509 : i32 to vector<16xi32>
        %add3A_511 = arith.addi %add3A_463, %add3A_510 : vector<16xi32>
        %add3A_512 = arith.constant 4096 : i32
        %add3A_513 = arith.addi %add3A_129, %add3A_512 : i32
        %add3A_514 = arith.constant 0 : i32
        %add3A_515 = arith.addi %add3A_513, %add3A_514 : i32
        %get3A_516 = arith.index_cast %add3A_515 : i32 to index
        %get3A_517 = tpu.vector_load %arg5[%get3A_516] {strides = array<i32>} : memref<24576xf32, #tpu.memory_space<vmem>>, vector<16xf32>,
        %gt3A_518 = arith.cmpf ogt, %get3A_517, %select_n3A_471 : vector<16xf32>
        %select_n3A_519 = arith.select %gt3A_518, %get3A_517, %select_n3A_471 : vector<16xi1>, vector<16xf32>
        %select_n3A_520 = arith.select %gt3A_518, %add3A_475, %select_n3A_472 : vector<16xi1>, vector<16xi32>
        %add3A_521 = arith.constant 64 : i32
        %add3A_522 = vector.broadcast %add3A_521 : i32 to vector<16xi32>
        %add3A_523 = arith.addi %add3A_475, %add3A_522 : vector<16xi32>
        %add3A_524 = arith.constant 4096 : i32
        %add3A_525 = arith.addi %add3A_129, %add3A_524 : i32
        %add3A_526 = arith.constant 16 : i32
        %add3A_527 = arith.addi %add3A_525, %add3A_526 : i32
        %get3A_528 = arith.index_cast %add3A_527 : i32 to index
        %get3A_529 = tpu.vector_load %arg5[%get3A_528] {strides = array<i32>} : memref<24576xf32, #tpu.memory_space<vmem>>, vector<16xf32>,
        %gt3A_530 = arith.cmpf ogt, %get3A_529, %select_n3A_483 : vector<16xf32>
        %select_n3A_531 = arith.select %gt3A_530, %get3A_529, %select_n3A_483 : vector<16xi1>, vector<16xf32>
        %select_n3A_532 = arith.select %gt3A_530, %add3A_487, %select_n3A_484 : vector<16xi1>, vector<16xi32>
        %add3A_533 = arith.constant 64 : i32
        %add3A_534 = vector.broadcast %add3A_533 : i32 to vector<16xi32>
        %add3A_535 = arith.addi %add3A_487, %add3A_534 : vector<16xi32>
        %add3A_536 = arith.constant 4096 : i32
        %add3A_537 = arith.addi %add3A_129, %add3A_536 : i32
        %add3A_538 = arith.constant 32 : i32
        %add3A_539 = arith.addi %add3A_537, %add3A_538 : i32
        %get3A_540 = arith.index_cast %add3A_539 : i32 to index
        %get3A_541 = tpu.vector_load %arg5[%get3A_540] {strides = array<i32>} : memref<24576xf32, #tpu.memory_space<vmem>>, vector<16xf32>,
        %gt3A_542 = arith.cmpf ogt, %get3A_541, %select_n3A_495 : vector<16xf32>
        %select_n3A_543 = arith.select %gt3A_542, %get3A_541, %select_n3A_495 : vector<16xi1>, vector<16xf32>
        %select_n3A_544 = arith.select %gt3A_542, %add3A_499, %select_n3A_496 : vector<16xi1>, vector<16xi32>
        %add3A_545 = arith.constant 64 : i32
        %add3A_546 = vector.broadcast %add3A_545 : i32 to vector<16xi32>
        %add3A_547 = arith.addi %add3A_499, %add3A_546 : vector<16xi32>
        %add3A_548 = arith.constant 4096 : i32
        %add3A_549 = arith.addi %add3A_129, %add3A_548 : i32
        %add3A_550 = arith.constant 48 : i32
        %add3A_551 = arith.addi %add3A_549, %add3A_550 : i32
        %get3A_552 = arith.index_cast %add3A_551 : i32 to index
        %get3A_553 = tpu.vector_load %arg5[%get3A_552] {strides = array<i32>} : memref<24576xf32, #tpu.memory_space<vmem>>, vector<16xf32>,
        %gt3A_554 = arith.cmpf ogt, %get3A_553, %select_n3A_507 : vector<16xf32>
        %select_n3A_555 = arith.select %gt3A_554, %get3A_553, %select_n3A_507 : vector<16xi1>, vector<16xf32>
        %select_n3A_556 = arith.select %gt3A_554, %add3A_511, %select_n3A_508 : vector<16xi1>, vector<16xi32>
        %add3A_557 = arith.constant 64 : i32
        %add3A_558 = vector.broadcast %add3A_557 : i32 to vector<16xi32>
        %add3A_559 = arith.addi %add3A_511, %add3A_558 : vector<16xi32>
        %add3A_560 = arith.constant 4096 : i32
        %add3A_561 = arith.addi %add3A_129, %add3A_560 : i32
        %add3A_562 = arith.constant 64 : i32
        %add3A_563 = arith.addi %add3A_561, %add3A_562 : i32
        %get3A_564 = arith.index_cast %add3A_563 : i32 to index
        %get3A_565 = tpu.vector_load %arg5[%get3A_564] {strides = array<i32>} : memref<24576xf32, #tpu.memory_space<vmem>>, vector<16xf32>,
        %gt3A_566 = arith.cmpf ogt, %get3A_565, %select_n3A_519 : vector<16xf32>
        %select_n3A_567 = arith.select %gt3A_566, %get3A_565, %select_n3A_519 : vector<16xi1>, vector<16xf32>
        %select_n3A_568 = arith.select %gt3A_566, %add3A_523, %select_n3A_520 : vector<16xi1>, vector<16xi32>
        %add3A_569 = arith.constant 64 : i32
        %add3A_570 = vector.broadcast %add3A_569 : i32 to vector<16xi32>
        %add3A_571 = arith.addi %add3A_523, %add3A_570 : vector<16xi32>
        %add3A_572 = arith.constant 4096 : i32
        %add3A_573 = arith.addi %add3A_129, %add3A_572 : i32
        %add3A_574 = arith.constant 80 : i32
        %add3A_575 = arith.addi %add3A_573, %add3A_574 : i32
        %get3A_576 = arith.index_cast %add3A_575 : i32 to index
        %get3A_577 = tpu.vector_load %arg5[%get3A_576] {strides = array<i32>} : memref<24576xf32, #tpu.memory_space<vmem>>, vector<16xf32>,
        %gt3A_578 = arith.cmpf ogt, %get3A_577, %select_n3A_531 : vector<16xf32>
        %select_n3A_579 = arith.select %gt3A_578, %get3A_577, %select_n3A_531 : vector<16xi1>, vector<16xf32>
        %select_n3A_580 = arith.select %gt3A_578, %add3A_535, %select_n3A_532 : vector<16xi1>, vector<16xi32>
        %add3A_581 = arith.constant 64 : i32
        %add3A_582 = vector.broadcast %add3A_581 : i32 to vector<16xi32>
        %add3A_583 = arith.addi %add3A_535, %add3A_582 : vector<16xi32>
        %add3A_584 = arith.constant 4096 : i32
        %add3A_585 = arith.addi %add3A_129, %add3A_584 : i32
        %add3A_586 = arith.constant 96 : i32
        %add3A_587 = arith.addi %add3A_585, %add3A_586 : i32
        %get3A_588 = arith.index_cast %add3A_587 : i32 to index
        %get3A_589 = tpu.vector_load %arg5[%get3A_588] {strides = array<i32>} : memref<24576xf32, #tpu.memory_space<vmem>>, vector<16xf32>,
        %gt3A_590 = arith.cmpf ogt, %get3A_589, %select_n3A_543 : vector<16xf32>
        %select_n3A_591 = arith.select %gt3A_590, %get3A_589, %select_n3A_543 : vector<16xi1>, vector<16xf32>
        %select_n3A_592 = arith.select %gt3A_590, %add3A_547, %select_n3A_544 : vector<16xi1>, vector<16xi32>
        %add3A_593 = arith.constant 64 : i32
        %add3A_594 = vector.broadcast %add3A_593 : i32 to vector<16xi32>
        %add3A_595 = arith.addi %add3A_547, %add3A_594 : vector<16xi32>
        %add3A_596 = arith.constant 4096 : i32
        %add3A_597 = arith.addi %add3A_129, %add3A_596 : i32
        %add3A_598 = arith.constant 112 : i32
        %add3A_599 = arith.addi %add3A_597, %add3A_598 : i32
        %get3A_600 = arith.index_cast %add3A_599 : i32 to index
        %get3A_601 = tpu.vector_load %arg5[%get3A_600] {strides = array<i32>} : memref<24576xf32, #tpu.memory_space<vmem>>, vector<16xf32>,
        %gt3A_602 = arith.cmpf ogt, %get3A_601, %select_n3A_555 : vector<16xf32>
        %select_n3A_603 = arith.select %gt3A_602, %get3A_601, %select_n3A_555 : vector<16xi1>, vector<16xf32>
        %select_n3A_604 = arith.select %gt3A_602, %add3A_559, %select_n3A_556 : vector<16xi1>, vector<16xi32>
        %add3A_605 = arith.constant 64 : i32
        %add3A_606 = vector.broadcast %add3A_605 : i32 to vector<16xi32>
        %add3A_607 = arith.addi %add3A_559, %add3A_606 : vector<16xi32>
        %add3A_608 = arith.constant 5120 : i32
        %add3A_609 = arith.addi %add3A_129, %add3A_608 : i32
        %add3A_610 = arith.constant 0 : i32
        %add3A_611 = arith.addi %add3A_609, %add3A_610 : i32
        %get3A_612 = arith.index_cast %add3A_611 : i32 to index
        %get3A_613 = tpu.vector_load %arg5[%get3A_612] {strides = array<i32>} : memref<24576xf32, #tpu.memory_space<vmem>>, vector<16xf32>,
        %gt3A_614 = arith.cmpf ogt, %get3A_613, %select_n3A_567 : vector<16xf32>
        %select_n3A_615 = arith.select %gt3A_614, %get3A_613, %select_n3A_567 : vector<16xi1>, vector<16xf32>
        %select_n3A_616 = arith.select %gt3A_614, %add3A_571, %select_n3A_568 : vector<16xi1>, vector<16xi32>
        %add3A_617 = arith.constant 64 : i32
        %add3A_618 = vector.broadcast %add3A_617 : i32 to vector<16xi32>
        %add3A_619 = arith.addi %add3A_571, %add3A_618 : vector<16xi32>
        %add3A_620 = arith.constant 5120 : i32
        %add3A_621 = arith.addi %add3A_129, %add3A_620 : i32
        %add3A_622 = arith.constant 16 : i32
        %add3A_623 = arith.addi %add3A_621, %add3A_622 : i32
        %get3A_624 = arith.index_cast %add3A_623 : i32 to index
        %get3A_625 = tpu.vector_load %arg5[%get3A_624] {strides = array<i32>} : memref<24576xf32, #tpu.memory_space<vmem>>, vector<16xf32>,
        %gt3A_626 = arith.cmpf ogt, %get3A_625, %select_n3A_579 : vector<16xf32>
        %select_n3A_627 = arith.select %gt3A_626, %get3A_625, %select_n3A_579 : vector<16xi1>, vector<16xf32>
        %select_n3A_628 = arith.select %gt3A_626, %add3A_583, %select_n3A_580 : vector<16xi1>, vector<16xi32>
        %add3A_629 = arith.constant 64 : i32
        %add3A_630 = vector.broadcast %add3A_629 : i32 to vector<16xi32>
        %add3A_631 = arith.addi %add3A_583, %add3A_630 : vector<16xi32>
        %add3A_632 = arith.constant 5120 : i32
        %add3A_633 = arith.addi %add3A_129, %add3A_632 : i32
        %add3A_634 = arith.constant 32 : i32
        %add3A_635 = arith.addi %add3A_633, %add3A_634 : i32
        %get3A_636 = arith.index_cast %add3A_635 : i32 to index
        %get3A_637 = tpu.vector_load %arg5[%get3A_636] {strides = array<i32>} : memref<24576xf32, #tpu.memory_space<vmem>>, vector<16xf32>,
        %gt3A_638 = arith.cmpf ogt, %get3A_637, %select_n3A_591 : vector<16xf32>
        %select_n3A_639 = arith.select %gt3A_638, %get3A_637, %select_n3A_591 : vector<16xi1>, vector<16xf32>
        %select_n3A_640 = arith.select %gt3A_638, %add3A_595, %select_n3A_592 : vector<16xi1>, vector<16xi32>
        %add3A_641 = arith.constant 64 : i32
        %add3A_642 = vector.broadcast %add3A_641 : i32 to vector<16xi32>
        %add3A_643 = arith.addi %add3A_595, %add3A_642 : vector<16xi32>
        %add3A_644 = arith.constant 5120 : i32
        %add3A_645 = arith.addi %add3A_129, %add3A_644 : i32
        %add3A_646 = arith.constant 48 : i32
        %add3A_647 = arith.addi %add3A_645, %add3A_646 : i32
        %get3A_648 = arith.index_cast %add3A_647 : i32 to index
        %get3A_649 = tpu.vector_load %arg5[%get3A_648] {strides = array<i32>} : memref<24576xf32, #tpu.memory_space<vmem>>, vector<16xf32>,
        %gt3A_650 = arith.cmpf ogt, %get3A_649, %select_n3A_603 : vector<16xf32>
        %select_n3A_651 = arith.select %gt3A_650, %get3A_649, %select_n3A_603 : vector<16xi1>, vector<16xf32>
        %select_n3A_652 = arith.select %gt3A_650, %add3A_607, %select_n3A_604 : vector<16xi1>, vector<16xi32>
        %add3A_653 = arith.constant 64 : i32
        %add3A_654 = vector.broadcast %add3A_653 : i32 to vector<16xi32>
        %add3A_655 = arith.addi %add3A_607, %add3A_654 : vector<16xi32>
        %add3A_656 = arith.constant 5120 : i32
        %add3A_657 = arith.addi %add3A_129, %add3A_656 : i32
        %add3A_658 = arith.constant 64 : i32
        %add3A_659 = arith.addi %add3A_657, %add3A_658 : i32
        %get3A_660 = arith.index_cast %add3A_659 : i32 to index
        %get3A_661 = tpu.vector_load %arg5[%get3A_660] {strides = array<i32>} : memref<24576xf32, #tpu.memory_space<vmem>>, vector<16xf32>,
        %gt3A_662 = arith.cmpf ogt, %get3A_661, %select_n3A_615 : vector<16xf32>
        %select_n3A_663 = arith.select %gt3A_662, %get3A_661, %select_n3A_615 : vector<16xi1>, vector<16xf32>
        %select_n3A_664 = arith.select %gt3A_662, %add3A_619, %select_n3A_616 : vector<16xi1>, vector<16xi32>
        %add3A_665 = arith.constant 5120 : i32
        %add3A_666 = arith.addi %add3A_129, %add3A_665 : i32
        %add3A_667 = arith.constant 80 : i32
        %add3A_668 = arith.addi %add3A_666, %add3A_667 : i32
        %get3A_669 = arith.index_cast %add3A_668 : i32 to index
        %get3A_670 = tpu.vector_load %arg5[%get3A_669] {strides = array<i32>} : memref<24576xf32, #tpu.memory_space<vmem>>, vector<16xf32>,
        %gt3A_671 = arith.cmpf ogt, %get3A_670, %select_n3A_627 : vector<16xf32>
        %select_n3A_672 = arith.select %gt3A_671, %get3A_670, %select_n3A_627 : vector<16xi1>, vector<16xf32>
        %select_n3A_673 = arith.select %gt3A_671, %add3A_631, %select_n3A_628 : vector<16xi1>, vector<16xi32>
        %add3A_674 = arith.constant 5120 : i32
        %add3A_675 = arith.addi %add3A_129, %add3A_674 : i32
        %add3A_676 = arith.constant 96 : i32
        %add3A_677 = arith.addi %add3A_675, %add3A_676 : i32
        %get3A_678 = arith.index_cast %add3A_677 : i32 to index
        %get3A_679 = tpu.vector_load %arg5[%get3A_678] {strides = array<i32>} : memref<24576xf32, #tpu.memory_space<vmem>>, vector<16xf32>,
        %gt3A_680 = arith.cmpf ogt, %get3A_679, %select_n3A_639 : vector<16xf32>
        %select_n3A_681 = arith.select %gt3A_680, %get3A_679, %select_n3A_639 : vector<16xi1>, vector<16xf32>
        %select_n3A_682 = arith.select %gt3A_680, %add3A_643, %select_n3A_640 : vector<16xi1>, vector<16xi32>
        %add3A_683 = arith.constant 5120 : i32
        %add3A_684 = arith.addi %add3A_129, %add3A_683 : i32
        %add3A_685 = arith.constant 112 : i32
        %add3A_686 = arith.addi %add3A_684, %add3A_685 : i32
        %get3A_687 = arith.index_cast %add3A_686 : i32 to index
        %get3A_688 = tpu.vector_load %arg5[%get3A_687] {strides = array<i32>} : memref<24576xf32, #tpu.memory_space<vmem>>, vector<16xf32>,
        %gt3A_689 = arith.cmpf ogt, %get3A_688, %select_n3A_651 : vector<16xf32>
        %select_n3A_690 = arith.select %gt3A_689, %get3A_688, %select_n3A_651 : vector<16xi1>, vector<16xf32>
        %select_n3A_691 = arith.select %gt3A_689, %add3A_655, %select_n3A_652 : vector<16xi1>, vector<16xi32>
        %gt3A_692 = arith.cmpf ogt, %select_n3A_663, %select_n3A_672 : vector<16xf32>
        %eq3A = arith.cmpf oeq, %select_n3A_663, %select_n3A_672 : vector<16xf32>
        %lt3A_693 = arith.cmpi slt, %select_n3A_664, %select_n3A_673 : vector<16xi32>
        %and3A_694 = arith.andi %eq3A, %lt3A_693 : vector<16xi1>
        %or3A = arith.ori %gt3A_692, %and3A_694 : vector<16xi1>
        %select_n3A_695 = arith.select %or3A, %select_n3A_663, %select_n3A_672 : vector<16xi1>, vector<16xf32>
        %select_n3A_696 = arith.select %or3A, %select_n3A_664, %select_n3A_673 : vector<16xi1>, vector<16xi32>
        %gt3A_697 = arith.cmpf ogt, %select_n3A_681, %select_n3A_690 : vector<16xf32>
        %eq3A_698 = arith.cmpf oeq, %select_n3A_681, %select_n3A_690 : vector<16xf32>
        %lt3A_699 = arith.cmpi slt, %select_n3A_682, %select_n3A_691 : vector<16xi32>
        %and3A_700 = arith.andi %eq3A_698, %lt3A_699 : vector<16xi1>
        %or3A_701 = arith.ori %gt3A_697, %and3A_700 : vector<16xi1>
        %select_n3A_702 = arith.select %or3A_701, %select_n3A_681, %select_n3A_690 : vector<16xi1>, vector<16xf32>
        %select_n3A_703 = arith.select %or3A_701, %select_n3A_682, %select_n3A_691 : vector<16xi1>, vector<16xi32>
        %gt3A_704 = arith.cmpf ogt, %select_n3A_695, %select_n3A_702 : vector<16xf32>
        %eq3A_705 = arith.cmpf oeq, %select_n3A_695, %select_n3A_702 : vector<16xf32>
        %lt3A_706 = arith.cmpi slt, %select_n3A_696, %select_n3A_703 : vector<16xi32>
        %and3A_707 = arith.andi %eq3A_705, %lt3A_706 : vector<16xi1>
        %or3A_708 = arith.ori %gt3A_704, %and3A_707 : vector<16xi1>
        %select_n3A_709 = arith.select %or3A_708, %select_n3A_695, %select_n3A_702 : vector<16xi1>, vector<16xf32>
        %select_n3A_710 = arith.select %or3A_708, %select_n3A_696, %select_n3A_703 : vector<16xi1>, vector<16xi32>
        %reduce_max3A = arith.constant true
        %reduce_max3A_711 = vector.broadcast %reduce_max3A : i1 to vector<16xi1>
        %reduce_max3A_712 = tpu.scan <max>, %select_n3A_709 masked %reduce_max3A_711 : vector<16xf32>, vector<16xi1> -> vector<16xf32>
        %reduce_max3A_713 = vector.extract %reduce_max3A_712[15] : f32 from vector<16xf32>
        %eq3A_714 = vector.broadcast %reduce_max3A_713 : f32 to vector<16xf32>
        %eq3A_715 = arith.cmpf oeq, %select_n3A_709, %eq3A_714 : vector<16xf32>
        %select_n3A_716 = arith.select %eq3A_715, %select_n3A_710, %broadcast_in_dim3A_9 : vector<16xi1>, vector<16xi32>
        %reduce_min3A = arith.constant true
        %reduce_min3A_717 = vector.broadcast %reduce_min3A : i1 to vector<16xi1>
        %reduce_min3A_718 = arith.constant -2147483648 : i32
        %reduce_min3A_719 = vector.broadcast %reduce_min3A_718 : i32 to vector<16xi32>
        %reduce_min3A_720 = arith.xori %select_n3A_716, %reduce_min3A_719 : vector<16xi32>
        %reduce_min3A_721 = tpu.scan <min>, %reduce_min3A_720 masked %reduce_min3A_717 : vector<16xi32>, vector<16xi1> -> vector<16xi32>
        %reduce_min3A_722 = arith.xori %reduce_min3A_721, %reduce_min3A_719 : vector<16xi32>
        %reduce_min3A_723 = vector.extract %reduce_min3A_722[15] : i32 from vector<16xi32>
        %shift_right_arithmetic3A_724 = arith.constant 7 : i32
        %shift_right_arithmetic3A_725 = arith.shrsi %reduce_min3A_723, %shift_right_arithmetic3A_724 : i32
        %mul3A_726 = arith.constant 1024 : i32
        %mul3A_727 = arith.muli %shift_right_arithmetic3A_725, %mul3A_726 : i32
        %add3A_728 = arith.addi %add3A_129, %mul3A_727 : i32
        %and3A_729 = arith.constant 127 : i32
        %and3A_730 = arith.andi %reduce_min3A_723, %and3A_729 : i32
        %shift_right_arithmetic3A_731 = arith.constant 4 : i32
        %shift_right_arithmetic3A_732 = arith.shrsi %and3A_730, %shift_right_arithmetic3A_731 : i32
        %mul3A_733 = arith.constant 16 : i32
        %mul3A_734 = arith.muli %shift_right_arithmetic3A_732, %mul3A_733 : i32
        %add3A_735 = arith.addi %add3A_728, %mul3A_734 : i32
        %and3A_736 = arith.constant 15 : i32
        %and3A_737 = arith.andi %reduce_min3A_723, %and3A_736 : i32
        %eq3A_738 = vector.broadcast %and3A_737 : i32 to vector<16xi32>
        %eq3A_739 = arith.cmpi eq, %iota3A, %eq3A_738 : vector<16xi32>
        %jit3A = arith.constant 0.000000e+00 : f32
        %broadcast_in_dim3A_740 = vector.broadcast %reduce_max3A_713 : f32 to vector<16xf32>
        %broadcast_in_dim3A_741 = vector.broadcast %jit3A : f32 to vector<16xf32>
        %select_n3A_742 = arith.select %eq3A_739, %broadcast_in_dim3A_740, %broadcast_in_dim3A_741 : vector<16xi1>, vector<16xf32>
        %swap3A = arith.index_cast %add3A_735 : i32 to index
        %swap3A_743 = tpu.vector_load %arg7[%swap3A] {strides = array<i32>} : memref<24576xf32, #tpu.memory_space<vmem>>, vector<16xf32>,
        tpu.vector_store %arg7[%swap3A], %select_n3A_742 {strides = array<i32>} : memref<24576xf32, #tpu.memory_space<vmem>>, vector<16xf32>,
        %swap3A_744 = arith.index_cast %scan3A_121 : i32 to index
        %swap3A_745 = memref.load %arg9[%swap3A_744] : memref<32xi32, #tpu.memory_space<smem>>
        memref.store %add3A_735, %arg9[%swap3A_744] : memref<32xi32, #tpu.memory_space<smem>>
        %scan3A_746 = arith.constant 0 : i32
        scf.yield %scan3A_746 : i32
      }
      %scan3A_107 = arith.constant 32 : i32
      %mul3A_108 = arith.constant 24576 : i32
      %mul3A_109 = arith.muli %add3A_90, %mul3A_108 : i32
      %add3A_110 = arith.addi %mul3A_4, %mul3A_109 : i32
      %dma_start3A_111 = tpu.memref_slice %arg3[%add3A_110] : memref<25165824xf32, #tpu.memory_space<hbm>> -> memref<24576xf32, #tpu.memory_space<hbm>>
      %dma_start3A_112 = tpu.memref_slice %arg3[%add3A_110] : memref<25165824xf32, #tpu.memory_space<hbm>> -> memref<24576xf32, #tpu.memory_space<hbm>>
      tpu.enqueue_dma source(%arg7 : memref<24576xf32, #tpu.memory_space<vmem>>) target(%dma_start3A_112 : memref<24576xf32, #tpu.memory_space<hbm>>) target_semaphore(%arg13 : memref<!tpu.dma_semaphore, #tpu.memory_space<semaphore_mem>>)
      %add3A_113 = arith.constant 2 : i32
      %add3A_114 = arith.addi %add3A_90, %add3A_113 : i32
      %lt3A_115 = arith.constant 32 : i32
      %lt3A_116 = arith.cmpi slt, %add3A_114, %lt3A_115 : i32
      %convert_element_type3A_117 = arith.extui %lt3A_116 : i1 to i32
      %cond3A_118 = arith.constant 0 : i32
      %cond3A_119 = arith.cmpi ne, %convert_element_type3A_117, %cond3A_118 : i32
      scf.if %cond3A_119 {
        %add3A_121 = arith.constant 2 : i32
        %add3A_122 = arith.addi %add3A_90, %add3A_121 : i32
        %mul3A_123 = arith.constant 24576 : i32
        %mul3A_124 = arith.muli %add3A_122, %mul3A_123 : i32
        %add3A_125 = arith.addi %mul3A_4, %mul3A_124 : i32
        %dma_start3A_126 = tpu.memref_slice %arg2[%add3A_125] : memref<25165824xf32, #tpu.memory_space<hbm>> -> memref<24576xf32, #tpu.memory_space<hbm>>
        %dma_start3A_127 = tpu.memref_slice %arg2[%add3A_125] : memref<25165824xf32, #tpu.memory_space<hbm>> -> memref<24576xf32, #tpu.memory_space<hbm>>
        tpu.enqueue_dma source(%dma_start3A_127 : memref<24576xf32, #tpu.memory_space<hbm>>) target(%arg5 : memref<24576xf32, #tpu.memory_space<vmem>>) target_semaphore(%arg11 : memref<!tpu.dma_semaphore, #tpu.memory_space<semaphore_mem>>)
      } else {
      }
      %scan3A_120 = arith.constant 0 : i32
      scf.yield %scan3A_120 : i32
    }
    %scan3A_48 = arith.constant 16 : i32
    %add3A_49 = arith.constant 737280 : i32
    %add3A_50 = arith.addi %mul3A_4, %add3A_49 : i32
    %dma_wait3A = tpu.memref_slice %arg3[%add3A_50] : memref<25165824xf32, #tpu.memory_space<hbm>> -> memref<24576xf32, #tpu.memory_space<hbm>>
    %dma_wait3A_51 = tpu.memref_slice %arg3[%add3A_50] : memref<25165824xf32, #tpu.memory_space<hbm>> -> memref<24576xf32, #tpu.memory_space<hbm>>
    tpu.wait_dma2 semaphore(%arg12 : memref<!tpu.dma_semaphore, #tpu.memory_space<semaphore_mem>>) src(%arg6 : memref<24576xf32, #tpu.memory_space<vmem>>) dst(%dma_wait3A_51 : memref<24576xf32, #tpu.memory_space<hbm>>)
    %add3A_52 = arith.constant 761856 : i32
    %add3A_53 = arith.addi %mul3A_4, %add3A_52 : i32
    %dma_wait3A_54 = tpu.memref_slice %arg3[%add3A_53] : memref<25165824xf32, #tpu.memory_space<hbm>> -> memref<24576xf32, #tpu.memory_space<hbm>>
    %dma_wait3A_55 = tpu.memref_slice %arg3[%add3A_53] : memref<25165824xf32, #tpu.memory_space<hbm>> -> memref<24576xf32, #tpu.memory_space<hbm>>
    tpu.wait_dma2 semaphore(%arg13 : memref<!tpu.dma_semaphore, #tpu.memory_space<semaphore_mem>>) src(%arg7 : memref<24576xf32, #tpu.memory_space<vmem>>) dst(%dma_wait3A_55 : memref<24576xf32, #tpu.memory_space<hbm>>)
    return
  }
}

</mosaic_0001>

<sc_bundles>
// kernel: kernel.3.cloned.1.call-start
scs
__scs_entry_jumppad:
0x0: {  	(pc) =	sbr.rel $0x88, $3  }
0x1: {  	(tag) =	ssettag $0x0;
	lr =	simm.s32 $0x1  }
0x2: {  	[smem:$0x3FA0] =	sst lr;
	_ =	strace $0xD0000000  }
0x3: {  	_ = 	snop  }
0x4: {  	_ = 	snop  }
0x5: {  	_ = 	snop  }
0x6: {  	_ = 	snop  }
0x7: {  	_ = 	snop  }
__scs_overlays_trampoline_lowered:
0x8: {  	[smem:$0x3FAF] =	sst s0  }
0x9: {  	[smem:$0x3FB0] =	sst s1  }
0xa: {  	[smem:$0x3FB1] =	sst s2  }
0xb: {  	[smem:$0x3FB2] =	sst s3  }
0xc: {  	[smem:$0x3FB3] =	sst s4  }
0xd: {  	[smem:$0x3FB4] =	sst s5  }
0xe: {  	[smem:$0x3FB5] =	sst s6  }
0xf: {  	[smem:$0x3FB6] =	sst s7  }
0x10: {  	[smem:$0x3FB7] =	sst s8  }
0x11: {  	[smem:$0x3FB8] =	sst s9;
	s0 =	simm.s32 @!p0 $0x0  }
0x12: {  	s1 =	sld [smem:$0x3F9E];
	s0 =	simm.s32 @p0 $0x1  }
0x13: {  	[smem:$0x3FB9] =	sst s0;
	s0 =	simm.s32 @!p1 $0x0  }
0x14: {  	s2 =	sld [smem:$0x3F9D];
	s0 =	simm.s32 @p1 $0x1  }
0x15: {  	[smem:$0x3FBA] =	sst s0;
	s0 =	simm.s32 @!p2 $0x0  }
0x16: {  	s3 =	sld [smem:$0x3FDB];
	s0 =	simm.s32 @p2 $0x1  }
0x17: {  	s4 =	simm.s32 $0x1BF5;
	[smem:$0x3FBC] =	sst s0  }
0x18: {  	s0 =	sld [smem:$0x3F9F];
	_ =	swait.ge [sflag:s4], $0x0  }
0x19: {  	s7 =	sld [smem:$0x3FA0]  }
0x1a: {  	s8 =	sadd.s32 $0xFFFFE003, lr  }
0x1b: {  	s9 =	sadd.s32 $0xFFFFFEF7, lr;
	s5 =	simm.s32 $0xFFFFFFFF;
	p2 =	slt.u32 s8, $0xFFFFF086  }
0x1c: {  	p1 =	slt.u32 s9, $0xF7A;
	s5 =	simm.s32 @!p2 $0x0  }
0x1d: {  	s5 =	simm.s32 @p1 $0x1;
	p0 =	seq.s32 s7, s2  }
0x1e: {  	s7 =	smul.u32 @!p0 $0xF7A, s2;
	p2 =	seq.s32 @!p0 s5, $0x0  }
0x1f: {  	s9 =	smul.u32 $0xF7A, s1;
	s8 =	simm.s32 @!p0 $0x1BF5;
	p2 =	por !p2, p0  }
0x20: {  	[sflag:s8] =	ssyncset.s32 @!p0 $0xFFFFF086;
	s6 =	sadd.s32 @!p0 s3, s7;
	s7 =	simm.s32 @!p0 $0x108  }
0x21: {  	s3 =	sadd.s32 s3, s9;
	s6 =	sadd.s32 @!p0 $0x88, s6;
	s7 =	simm.s32 @p2 $0x1082  }
0x22: {  	[simem:s7], [sflag:s8] =	dma.local @!p0 [hbm:s6], $0xF7A  }
0x23: {  	s9 =	sor.u32 $0xD0000000, s2;
	s6 =	simm.s32 $0x108;
	_ =	swait.ge @!p0 [sflag:s8], $0x0  }
0x24: {  	s3 =	sadd.s32 $0x88, s3;
	s6 =	simm.s32 @!p1 $0x1082;
	[sflag:s4] =	ssyncset.s32 $0xFFFFF086  }
0x25: {  	[simem:s6], [sflag:s4] =	dma.local [hbm:s3], $0xF7A  }
0x26: {  	[smem:$0x3FA0] =	sst s1;
	(tag) =	ssettag s2;
	_ =	strace s9  }
0x27: {  	s1 =	sld [smem:$0x3FB0]  }
0x28: {  	s2 =	sld [smem:$0x3FB1]  }
0x29: {  	s4 =	sld [smem:$0x3FB3]  }
0x2a: {  	p0 =	seq.s32 s5, $0x0;
	s5 =	sld [smem:$0x3FB4]  }
0x2b: {  	s6 =	sld [smem:$0x3FB5]  }
0x2c: {  	s7 =	sld [smem:$0x3FB6]  }
0x2d: {  	s3 =	simm.s32 $0x108;
	s8 =	sld [smem:$0x3FB7]  }
0x2e: {  	s3 =	simm.s32 @!p0 $0x1082;
	s9 =	sld [smem:$0x3FB8]  }
0x2f: {  	lr =	sadd.s32 s0, s3;
	s0 =	sld [smem:$0x3FAF]  }
0x30: {  	s3 =	sld [smem:$0x3FB2]  }
0x31: {  	[smem:$0x3FBB] =	sst s10  }
0x32: {  	s10 =	sld [smem:$0x3FB9];
	_ =	sdelay $0x3  }
0x33: {  	p0 =	seq.s32 s10, $0x1;
	s10 =	sld [smem:$0x3FBB];
	_ =	sdelay $0x3  }
0x34: {  	[smem:$0x3FBB] =	sst s10  }
0x35: {  	s10 =	sld [smem:$0x3FBA];
	_ =	sdelay $0x3  }
0x36: {  	p1 =	seq.s32 s10, $0x1;
	s10 =	sld [smem:$0x3FBB];
	_ =	sdelay $0x3  }
0x37: {  	[smem:$0x3FBB] =	sst s10  }
0x38: {  	s10 =	sld [smem:$0x3FBC]  }
0x39: {  	_ = 	snop;
	(pc) =	sbr.ind lr, $3  }
0x3a: {  	_ = 	snop  }
0x3b: {  	_ = 	snop  }
0x3c: {  	p2 =	seq.s32 s10, $0x1;
	s10 =	sld [smem:$0x3FBB]  }
0x3d: {  	_ =	shalt  }
0x3e: {  	_ =	shalt  }
0x3f: {  	_ =	shalt  }
0x40: {  	_ =	shalt  }
0x41: {  	_ =	shalt  }
0x42: {  	_ =	shalt  }
0x43: {  	_ =	shalt  }
0x44: {  	_ =	shalt  }
0x45: {  	_ =	shalt  }
0x46: {  	_ =	shalt  }
0x47: {  	_ =	shalt  }
0x48: {  	_ =	shalt  }
0x49: {  	_ =	shalt  }
0x4a: {  	_ =	shalt  }
0x4b: {  	_ =	shalt  }
0x4c: {  	_ =	shalt  }
0x4d: {  	_ =	shalt  }
0x4e: {  	_ =	shalt  }
0x4f: {  	_ =	shalt  }
0x50: {  	_ =	shalt  }
0x51: {  	_ =	shalt  }
0x52: {  	_ =	shalt  }
0x53: {  	_ =	shalt  }
0x54: {  	_ =	shalt  }
0x55: {  	_ =	shalt  }
0x56: {  	_ =	shalt  }
0x57: {  	_ =	shalt  }
0x58: {  	_ =	shalt  }
0x59: {  	_ =	shalt  }
0x5a: {  	_ =	shalt  }
0x5b: {  	_ =	shalt  }
0x5c: {  	_ =	shalt  }
0x5d: {  	_ =	shalt  }
0x5e: {  	_ =	shalt  }
0x5f: {  	_ =	shalt  }
0x60: {  	_ =	shalt  }
0x61: {  	_ =	shalt  }
0x62: {  	_ =	shalt  }
0x63: {  	_ =	shalt  }
0x64: {  	_ =	shalt  }
0x65: {  	_ =	shalt  }
0x66: {  	_ =	shalt  }
0x67: {  	_ =	shalt  }
0x68: {  	_ =	shalt  }
0x69: {  	_ =	shalt  }
0x6a: {  	_ =	shalt  }
0x6b: {  	_ =	shalt  }
0x6c: {  	_ =	shalt  }
0x6d: {  	_ =	shalt  }
0x6e: {  	_ =	shalt  }
0x6f: {  	_ =	shalt  }
0x70: {  	_ =	shalt  }
0x71: {  	_ =	shalt  }
0x72: {  	_ =	shalt  }
0x73: {  	_ =	shalt  }
0x74: {  	_ =	shalt  }
0x75: {  	_ =	shalt  }
0x76: {  	_ =	shalt  }
0x77: {  	_ =	shalt  }
0x78: {  	_ =	shalt  }
0x79: {  	_ =	shalt  }
0x7a: {  	_ =	shalt  }
0x7b: {  	_ =	shalt  }
0x7c: {  	_ =	shalt  }
0x7d: {  	_ =	shalt  }
0x7e: {  	_ =	shalt  }
0x7f: {  	_ =	shalt  }
0x80: {  	_ =	shalt  }
0x81: {  	_ =	shalt  }
0x82: {  	_ =	shalt  }
0x83: {  	_ =	shalt  }
0x84: {  	_ =	shalt  }
0x85: {  	_ =	shalt  }
0x86: {  	_ =	shalt  }
0x87: {  	_ =	shalt  }
.Lfunc_end0:
.L_simem_size_0:
called_computation_lowered:
.L_overlay_start_0:
0x88: {  	s2 =	sld [smem:$0x3FD9]  }
0x89: {  	s3 =	sld [smem:$0x3FFE];
	_ =	sdelay $0x1  }
0x8a: {  	s1 =	srdreg.scid  }
0x8b: {  	s0 =	sand.u32 $0x1, s1  }
0x8c: {  	s18 =	sshll.u32 s0, $0xA;
	s2 =	sadd.s32 s3, s2  }
0x8d: {  	s2 =	sadd.s32 s2, s18  }
0x8e: {  	[smem:$0x3FC7] =	sst s2  }
0x8f: {  	_ = 	snop  }
0x90: {  	s2 =	sld [smem:$0x3FC9]  }
0x91: {  	s19 =	sld [smem:$0x3FD0];
	(tm) =	ssettm $0x1  }
0x92: {  	s4 =	sld [smem:$0x3FFB];
	_ =	sdelay $0x3  }
0x93: {  	_ =	strace s4  }
0x94: {  	s4 =	sld [smem:$0x3FFC];
	_ =	sdelay $0x3  }
0x95: {  	_ =	strace s4  }
0x96: {  	s4 =	sld [smem:$0x3FFD];
	_ =	sdelay $0x3  }
0x97: {  	_ =	strace s4  }
0x98: {  	_ =	strace $0x8FFFFFFF  }
0x99: {  	s20 =	sld [smem:$0x3FDB];
	_ =	sdelay $0x1  }
0x9a: {  	s5 =	simm.s32 $_scs_section_size  }
0x9b: {  	s6 =	simm.s32 $_size__tile_overlayer_lowered;
	s7 =	simm.s32 $_tile_overlayer_lowered  }
0x9c: {  	s23 =	simm.s32 $0x1BFF;
	s22 =	sshll.u32 s7, $0x1;
	s4 =	sadd.s32 s5, s20  }
0x9d: {  	s8 =	simm.s32 $0x0;
	s21 =	sshll.u32 s6, $0x1;
	s6 =	sadd.s32 s22, s4  }
0x9e: {  	[timem:s8], [sflag:s23] =	dma.local [hbm:s6], s21  }
0x9f: {  	_ =	swait.ge [sflag:s23], s21  }
0xa0: {  	s5 =	ssub.s32 $0x0, s21;
	[sflag:s23] =	ssyncset.done $0x0  }
0xa1: {  	[sflag:s23] =	ssyncadd.s32 s5;
	_ =	sdelay $0x1  }
0xa2: {  	s24 =	simm.s32 $0x1B8B  }
0xa3: {  	_ =	swait.ge [sflag:s24], $0x1  }
0xa4: {  	[sflag:s24] =	ssyncset.done $0x0  }
0xa5: {  	s25 =	simm.s32 $0x1B8E;
	[sflag:s24] =	ssyncadd.s32 $0xFFFFFFFF  }
0xa6: {  	s26 =	simm.s32 $execute0_lowered;
	[smem:$0x3FD2] =	sst s25  }
0xa7: {  	s5 =	sshll.u32 s26, $0x1;
	_ =	strace $0x80000046;
	[dreg:$0x1] =	wrdreg $0xFFFFFFFF  }
0xa8: {  	s28 =	simm.s32 $_size_execute0_lowered;
	s4 =	sadd.s32 s4, s5;
	[dreg:$0x0] =	wrdreg $0x0  }
0xa9: {  	s5 =	sshll.u32 s28, $0x1;
	[dreg:$0x2] =	wrdreg s4  }
0xaa: {  	[dreg:$0x3] =	wrdreg s5  }
0xab: {  	[dreg:$0x4] =	wrdreg $0xC0  }
0xac: {  	_ =	task [dreg:s8], $0x5FFFF  }
0xad: {  	[dreg:$0x1] =	wrdreg $0xFFFFFFFF  }
0xae: {  	[dreg:$0x0] =	wrdreg $0x60  }
0xaf: {  	[dreg:$0x2] =	wrdreg s2  }
0xb0: {  	[dreg:$0x3] =	wrdreg s19  }
0xb1: {  	[dreg:$0x4] =	wrdreg $0x9  }
0xb2: {  	_ =	task.clear_ibuf [dreg:s8], $0x5FFFF;
	_ =	strace $0x90000046  }
0xb3: {  	s29 =	simm.s32 $0x9;
	_ =	strace $0x80000048  }
0xb4: {  	_ =	swait.ge [sflag:s29], $0x1  }
0xb5: {  	[sflag:s29] =	ssyncadd.s32 $0xFFFFFFFF  }
0xb6: {  	_ =	strace $0x90000048  }
0xb7: {  	_ =	sfence  }
0xb8: {  	s30 =	sld [smem:$0x0];
	_ =	sdelay $0x2  }
0xb9: {  	s31 =	sshll.u32 s1, $0xD;
	s1 =	sshrl.u32 s1, $0x2  }
0xba: {  	s3 =	sand.u32 $0x4000, s31;
	s1 =	sadd.s32 s1, s30  }
0xbb: {  	s0 =	sor.u32 s3, s0;
	s1 =	sshll.u32 s1, $0x11  }
0xbc: {  	s0 =	sor.u32 s1, s0  }
0xbd: {  	s0 =	sadd.s32 $0x8F2B, s0  }
0xbe: {  	[sflag:s0] =	ssyncadd.remote.s32 $0x1  }
0xbf: {  	_ =	sfence.sel $0xFFFF  }
0xc0: {  	[dreg:$0x0] =	wrdreg $0xFFFFFFFF;
	(pc) =	sbr.abs _section_cstart, $3  }
0xc1: {  	[dreg:$0x1] =	wrdreg $0xFFFFFFFF  }
0xc2: {  	_ =	task.clear_ibuf [dreg:s8], $0x2FFFF;
	_ =	strace $0x9FFFFFFF  }
0xc3: {  	(tm) =	ssettm $0x7FFFFFFF  }
tec
execute0_lowered:
.L_overlay_start_1:
0x0: {  	(tag) =	ssettag $0x1  }
0x1: {  	v0 =	vlaneseq.u32  }
0x2: {  	v1 =	vimm.f32 $0.0e+00;
	v2 =	vor.u32 $0x40, v0;
	v3 =	vor.u32 $0x10, v0  }
0x3: {  	v4 =	vor.u32 $0x50, v0;
	v5 =	vor.u32 $0x20, v0;
	v6 =	vor.u32 $0x60, v0  }
0x4: {  	v7 =	vor.u32 $0x30, v0;
	v8 =	vor.u32 $0x70, v0;
	v9 =	vor.u32 $0x80, v0  }
0x5: {  	v10 =	vor.u32 $0x90, v0;
	v11 =	vor.u32 $0xA0, v0;
	v12 =	vor.u32 $0xB0, v0  }
0x6: {  	v13 =	vor.u32 $0xC0, v0;
	v14 =	vor.u32 $0xD0, v0;
	v15 =	vor.u32 $0xE0, v0  }
0x7: {  	s1 =	srdreg.scid;
	v16 =	vor.u32 $0xF0, v0;
	v17 =	vor.u32 $0x100, v0;
	v18 =	vor.u32 $0x110, v0  }
0x8: {  	s0 =	stileid.u32;
	s3 =	rddreg [dreg:$0x1];
	s5 =	simm.s32 $0x0;
	v19 =	vor.u32 $0x120, v0;
	v20 =	vor.u32 $0x130, v0;
	v21 =	vor.u32 $0x140, v0  }
0x9: {  	s12 =	simm.s32 $0x6000;
	s13 =	simm.s32 $0x1;
	s14 =	simm.s32 $0xC000;
	v22 =	vor.u32 $0x150, v0;
	v23 =	vor.u32 $0x160, v0;
	v24 =	vor.u32 $0x170, v0  }
0xa: {  	s15 =	simm.s32 $0x2;
	s6 =	sand.u32 $0x1, s1;
	s2 =	sshll.u32 s0, $0x1;
	v25 =	vor.u32 $0x180, v0;
	v26 =	vor.u32 $0x190, v0;
	v27 =	vor.u32 $0x1A0, v0  }
0xb: {  	s16 =	simm.s32 $0x12000;
	s17 =	simm.s32 $0x3;
	v28 =	vor.u32 $0x1B0, v0;
	v29 =	vor.u32 $0x1C0, v0;
	v30 =	vor.u32 $0x1D0, v0;
	s2 =	sor.u32 s6, s2  }
0xc: {  	s18 =	simm.s32 $0x4;
	s1 =	rddreg [dreg:$0x0];
	v31 =	vor.u32 $0x1E0, v0;
	v32 =	vor.u32 $0x1F0, v0;
	v33 =	vor.u32 $0x200, v0;
	s4 =	smul.u32 $0xC0000, s2  }
.Ltmp0:
0xd: {  	[smem:$0x7FF] =	sst s5;
	v34 =	vor.u32 $0x210, v0;
	v35 =	vor.u32 $0x220, v0;
	v36 =	vor.u32 $0x230, v0;
	s7 =	ssub.s32 $0x2, s6;
	(pc) =	sbr.rel .LBB2_1-.Ltmp0, $4  }
0xe: {  	s19 =	simm.s32 $0x0;
	v37 =	vor.u32 $0x240, v0;
	v38 =	vor.u32 $0x250, v0;
	v39 =	vor.u32 $0x260, v0;
	s2 =	rddreg [dreg:$0x2];
	s8 =	sshrl.u32 s7, $0x1  }
0xf: {  	v40 =	vor.u32 $0x270, v0;
	v41 =	vor.u32 $0x280, v0;
	v42 =	vor.u32 $0x290, v0;
	_ =	strace $0x80000047;
	s11 =	ssub.s32 s7, s8;
	s31 =	sshrl.u32 s4, $0x3  }
0x10: {  	v43 =	vor.u32 $0x2A0, v0;
	v44 =	vor.u32 $0x2B0, v0;
	v45 =	vor.u32 $0x2C0, v0;
	s8 =	sor.u32 $0xC000, s4;
	s9 =	sor.u32 $0x6000, s4;
	s6 =	sadd.s32 s1, s31  }
0x11: {  	v46 =	vor.u32 $0x2D0, v0;
	v47 =	vor.u32 $0x2E0, v0;
	v48 =	vor.u32 $0x2F0, v0;
	s10 =	sor.u32 $0x12000, s4;
	s11 =	smax.u32 s11, $0x1;
	s7 =	sadd.s32 $0xC00, s6  }
.LBB2_20:
0x12: {  	s19 =	sadd.s32 $0x1, s19  }
0x13: {  	_ =	swait.ge [sflag:s17], $0x6000;
	p0 =	sne.s32 s19, s11  }
.Ltmp1:
0x14: {  	[sflag:s17] =	ssyncset.done $0x0;
	(pc) =	sbr.rel @!p0 .LBB2_21-.Ltmp1, $4  }
0x15: {  	[sflag:s17] =	ssyncadd.s32 $0xFFFFA000  }
0x16: {  	_ =	swait.ge [sflag:s18], $0x6000  }
0x17: {  	[sflag:s18] =	ssyncset.done $0x0  }
0x18: {  	[sflag:s18] =	ssyncadd.s32 $0xFFFFA000  }
.LBB2_1:
0x19: {  	s20 =	simm.s32 $0x0  }
.LBB2_2:
0x1a: {  	p0 =	sne.s32 s20, $0x17FC0  }
.Ltmp2:
0x1b: {  	_ = 	snop;
	(pc) =	sbr.rel @p0 .LBB2_2-.Ltmp2, $3  }
0x1c: {  	_ =	sdelay $0x1  }
0x1d: {  	s21 =	sshra.s32 s20, $0x2  }
0x1e: {  	s20 =	sadd.s32 $0x40, s20;
	[tilespmem:s21+$0xC000] =	vst v1  }
0x1f: {  	s20 =	simm.s32 $0x40;
	s21 =	simm.s32 $0x0  }
.LBB2_4:
0x20: {  	p0 =	sne.s32 s20, $0x17FC0;
	[tilespmem:s21+$0x12000] =	vst v1;
	s21 =	smov.u32 s20;
	s20 =	sadd.s32 $0x40, s20  }
.Ltmp3:
0x21: {  	(pc) =	sbr.rel @p0 .LBB2_4-.Ltmp3, $2  }
0x22: {  	_ =	sdelay $0x2  }
0x23: {  	s21 =	sshra.s32 s21, $0x2  }
0x24: {  	[tilespmem:s21+$0x12000] =	vst v1;
	s20 =	simm.s32 $0x0  }
0x25: {  	[tilespmem:s20], [sflag:$0x1] =	stream.linear.gather [hbm4b:s6+s20], $0x6000, $0x38;
	[tilespmem:$0x18000] =	vst v63  }
0x26: {  	_ = 	snop  }
0x27: {  	[tilespmem:s12], [sflag:$0x2] =	stream.linear.gather [hbm4b:s7+s20], $0x6000, $0x38;
	[tilespmem:$0x18000] =	vst v63  }
.LBB2_6:
0x28: {  	p0 =	seq.s32 s20, $0x0  }
.Ltmp4:
0x29: {  	_ = 	snop;
	(pc) =	sbr.rel @p0 .LBB2_10-.Ltmp4, $4  }
0x2a: {  	_ = 	snop  }
0x2b: {  	_ =	swait.ge [sflag:s13], $0x6000  }
0x2c: {  	[sflag:s13] =	ssyncset.done $0x0  }
0x2d: {  	[sflag:s13] =	ssyncadd.s32 $0xFFFFA000  }
0x2e: {  	_ =	swait.ge [sflag:s17], $0x6000  }
0x2f: {  	[sflag:s17] =	ssyncset.done $0x0  }
0x30: {  	[sflag:s17] =	ssyncadd.s32 $0xFFFFA000  }
0x31: {  	s21 =	simm.s32 $0x4;
	s22 =	sld [smem:$0x0]  }
.LBB2_8:
0x32: {  	p1 =	sne.s32 s21, $0x7C  }
.Ltmp5:
0x33: {  	_ = 	snop;
	(pc) =	sbr.rel @p1 .LBB2_8-.Ltmp5, $4  }
0x34: {  	_ = 	snop  }
0x35: {  	s31 =	smov.u32 s21  }
0x36: {  	[tilespmem:s22+$0xC000] =	vst v1;
	s22 =	sshra.s32 s31, $0x2  }
0x37: {  	s21 =	sadd.s32 $0x4, s21;
	s22 =	sld [smem:s22+$0x0]  }
0x38: {  	_ =	sdelay $0x1  }
0x39: {  	[tilespmem:s22+$0xC000] =	vst v1  }
.LBB2_10:
0x3a: {  	s21 =	smul.u32 $0xC000, s20  }
0x3b: {  	s23 =	simm.s32 $0x0  }
0x3c: {  	s24 =	simm.s32 $0x0;
	s25 =	simm.s32 $0x0;
	s22 =	sadd.s32 s4, s21  }
.LBB2_11:
0x3d: {  	s26 =	sshrl.u32 s25, $0x3  }
0x3e: {  	s26 =	smul.u32 $0x1800, s26  }
0x3f: {  	s28 =	sand.u32 $0x380, s23  }
0x40: {  	s26 =	sor.u32 s28, s26  }
0x41: {  	v49 =	vld [tilespmem:s26+$0x0]  }
0x42: {  	v50 =	vld [tilespmem:s26+$0x10]  }
0x43: {  	v51 =	vld [tilespmem:s26+$0x20]  }
0x44: {  	v52 =	vld [tilespmem:s26+$0x30]  }
0x45: {  	v53 =	vld [tilespmem:s26+$0x40]  }
0x46: {  	v54 =	vld [tilespmem:s26+$0x50]  }
0x47: {  	v55 =	vld [tilespmem:s26+$0x60]  }
0x48: {  	v56 =	vld [tilespmem:s26+$0x70]  }
0x49: {  	v57 =	vld [tilespmem:s26+$0x400];
	vm0 =	vgt.f32 v49, $-Inf  }
0x4a: {  	v58 =	vld [tilespmem:s26+$0x410];
	vm1 =	vgt.f32 v50, $-Inf;
	vm7 =	vgt.f32 v51, $-Inf;
	v49 =	vnsel vm0, $0xFF800000, v49  }
0x4b: {  	v59 =	vld [tilespmem:s26+$0x420];
	vm8 =	vgt.f32 v52, $-Inf;
	v50 =	vnsel vm1, $0xFF800000, v50;
	vm9 =	vgt.f32 v53, v49  }
0x4c: {  	v51 =	vnsel vm7, $0xFF800000, v51;
	vm10 =	vgt.f32 v54, v50;
	v49 =	vsel vm9, v53, v49;
	v53 =	vld [tilespmem:s26+$0x430]  }
0x4d: {  	v52 =	vnsel vm8, $0xFF800000, v52;
	vm11 =	vgt.f32 v55, v51;
	v50 =	vsel vm10, v54, v50;
	v54 =	vld [tilespmem:s26+$0x440]  }
0x4e: {  	vm12 =	vgt.f32 v56, v52;
	v51 =	vsel vm11, v55, v51;
	v55 =	vld [tilespmem:s26+$0x450]  }
0x4f: {  	v52 =	vsel vm12, v56, v52;
	v56 =	vld [tilespmem:s26+$0x460];
	vm13 =	vgt.f32 v57, v49  }
0x50: {  	v60 =	vsel vm9, v2, v0;
	vm14 =	vgt.f32 v58, v50;
	v49 =	vsel vm13, v57, v49;
	v57 =	vld [tilespmem:s26+$0x470]  }
0x51: {  	v61 =	vsel vm10, v4, v3;
	vm15 =	vgt.f32 v59, v51;
	v50 =	vsel vm14, v58, v50;
	v58 =	vld [tilespmem:s26+$0x800]  }
0x52: {  	v62 =	vsel vm11, v6, v5;
	v51 =	vsel vm15, v59, v51;
	v59 =	vld [tilespmem:s26+$0x810];
	vm4 =	vgt.f32 v53, v52  }
0x53: {  	v63 =	vsel vm12, v8, v7;
	vm5 =	vgt.f32 v54, v49;
	v52 =	vsel vm4, v53, v52;
	v53 =	vld [tilespmem:s26+$0x820]  }
0x54: {  	v60 =	vsel vm13, v9, v60;
	vm6 =	vgt.f32 v55, v50;
	v49 =	vsel vm5, v54, v49;
	v54 =	vld [tilespmem:s26+$0x830]  }
0x55: {  	v61 =	vsel vm14, v10, v61;
	vm7 =	vgt.f32 v56, v51;
	v50 =	vsel vm6, v55, v50;
	v55 =	vld [tilespmem:s26+$0x840]  }
0x56: {  	v62 =	vsel vm15, v11, v62;
	v51 =	vsel vm7, v56, v51;
	v56 =	vld [tilespmem:s26+$0x850];
	vm8 =	vgt.f32 v57, v52  }
0x57: {  	v63 =	vsel vm4, v12, v63;
	vm9 =	vgt.f32 v58, v49;
	v52 =	vsel vm8, v57, v52;
	v57 =	vld [tilespmem:s26+$0x860]  }
0x58: {  	v60 =	vsel vm5, v13, v60;
	vm10 =	vgt.f32 v59, v50;
	v49 =	vsel vm9, v58, v49;
	v58 =	vld [tilespmem:s26+$0x870]  }
0x59: {  	v61 =	vsel vm6, v14, v61;
	v50 =	vsel vm10, v59, v50;
	v59 =	vld [tilespmem:s26+$0xC00];
	vm11 =	vgt.f32 v53, v51  }
0x5a: {  	v62 =	vsel vm7, v15, v62;
	vm12 =	vgt.f32 v54, v52;
	v51 =	vsel vm11, v53, v51;
	v53 =	vld [tilespmem:s26+$0xC10]  }
0x5b: {  	v63 =	vsel vm8, v16, v63;
	vm13 =	vgt.f32 v55, v49;
	v52 =	vsel vm12, v54, v52;
	v54 =	vld [tilespmem:s26+$0xC20]  }
0x5c: {  	v60 =	vsel vm9, v17, v60;
	vm14 =	vgt.f32 v56, v50;
	v49 =	vsel vm13, v55, v49;
	v55 =	vld [tilespmem:s26+$0xC30]  }
0x5d: {  	v61 =	vsel vm10, v18, v61;
	v50 =	vsel vm14, v56, v50;
	v56 =	vld [tilespmem:s26+$0xC40];
	vm15 =	vgt.f32 v57, v51  }
0x5e: {  	v62 =	vsel vm11, v19, v62;
	vm4 =	vgt.f32 v58, v52;
	v51 =	vsel vm15, v57, v51;
	v57 =	vld [tilespmem:s26+$0xC50]  }
0x5f: {  	v63 =	vsel vm12, v20, v63;
	vm5 =	vgt.f32 v59, v49;
	v52 =	vsel vm4, v58, v52;
	v58 =	vld [tilespmem:s26+$0xC60]  }
0x60: {  	v60 =	vsel vm13, v21, v60;
	v49 =	vsel vm5, v59, v49;
	v59 =	vld [tilespmem:s26+$0xC70];
	vm6 =	vgt.f32 v53, v50  }
0x61: {  	v61 =	vsel vm14, v22, v61;
	vm7 =	vgt.f32 v54, v51;
	v50 =	vsel vm6, v53, v50;
	v53 =	vld [tilespmem:s26+$0x1000]  }
0x62: {  	v62 =	vsel vm15, v23, v62;
	vm8 =	vgt.f32 v55, v52;
	v51 =	vsel vm7, v54, v51;
	v54 =	vld [tilespmem:s26+$0x1010]  }
0x63: {  	v63 =	vsel vm4, v24, v63;
	vm9 =	vgt.f32 v56, v49;
	v52 =	vsel vm8, v55, v52;
	v55 =	vld [tilespmem:s26+$0x1020]  }
0x64: {  	v60 =	vsel vm5, v25, v60;
	v49 =	vsel vm9, v56, v49;
	v56 =	vld [tilespmem:s26+$0x1030];
	vm10 =	vgt.f32 v57, v50  }
0x65: {  	v61 =	vsel vm6, v26, v61;
	vm11 =	vgt.f32 v58, v51;
	v50 =	vsel vm10, v57, v50;
	v57 =	vld [tilespmem:s26+$0x1040]  }
0x66: {  	v62 =	vsel vm7, v27, v62;
	vm12 =	vgt.f32 v59, v52;
	v51 =	vsel vm11, v58, v51;
	v58 =	vld [tilespmem:s26+$0x1050]  }
0x67: {  	v63 =	vsel vm8, v28, v63;
	v52 =	vsel vm12, v59, v52;
	v59 =	vld [tilespmem:s26+$0x1060];
	vm13 =	vgt.f32 v53, v49  }
0x68: {  	v60 =	vsel vm9, v29, v60;
	vm14 =	vgt.f32 v54, v50;
	v49 =	vsel vm13, v53, v49;
	v53 =	vld [tilespmem:s26+$0x1070]  }
0x69: {  	v61 =	vsel vm10, v30, v61;
	vm15 =	vgt.f32 v55, v51;
	v50 =	vsel vm14, v54, v50;
	v54 =	vld [tilespmem:s26+$0x1400]  }
0x6a: {  	v62 =	vsel vm11, v31, v62;
	vm4 =	vgt.f32 v56, v52;
	v51 =	vsel vm15, v55, v51;
	v55 =	vld [tilespmem:s26+$0x1410]  }
0x6b: {  	v63 =	vsel vm12, v32, v63;
	v60 =	vsel vm13, v33, v60;
	v52 =	vsel vm4, v56, v52;
	v56 =	vld [tilespmem:s26+$0x1420]  }
0x6c: {  	v61 =	vsel vm14, v34, v61;
	v62 =	vsel vm15, v35, v62;
	vm5 =	vgt.f32 v57, v49  }
0x6d: {  	v63 =	vsel vm4, v36, v63;
	vm6 =	vgt.f32 v58, v50;
	v49 =	vsel vm5, v57, v49;
	v57 =	vld [tilespmem:s26+$0x1430]  }
0x6e: {  	vm7 =	vgt.f32 v59, v51;
	v60 =	vsel vm5, v37, v60;
	v50 =	vsel vm6, v58, v50;
	v58 =	vld [tilespmem:s26+$0x1440]  }
0x6f: {  	v51 =	vsel vm7, v59, v51;
	v59 =	vld [tilespmem:s26+$0x1450];
	vm2 =	vgt.f32 v53, v52;
	vm3 =	vgt.f32 v54, v49  }
0x70: {  	vm8 =	vgt.f32 v55, v50;
	vm9 =	vgt.f32 v56, v51;
	v52 =	vsel vm2, v53, v52  }
0x71: {  	v53 =	vsel vm6, v38, v61;
	v49 =	vsel vm3, v54, v49;
	v61 =	vsel vm7, v39, v62  }
0x72: {  	v54 =	vld [tilespmem:s26+$0x1460];
	v50 =	vsel vm8, v55, v50;
	v55 =	vsel vm2, v40, v63;
	v51 =	vsel vm9, v56, v51  }
0x73: {  	v56 =	vld [tilespmem:s26+$0x1470];
	v60 =	vsel vm3, v41, v60;
	vm10 =	vgt.f32 v57, v52;
	vm11 =	vgt.f32 v58, v49  }
0x74: {  	v53 =	vsel vm8, v42, v53;
	v61 =	vsel vm9, v43, v61;
	vm12 =	vgt.f32 v59, v50  }
0x75: {  	v52 =	vsel vm10, v57, v52;
	v49 =	vsel vm11, v58, v49;
	v50 =	vsel vm12, v59, v50  }
0x76: {  	v62 =	vsel vm10, v44, v55;
	v63 =	vsel vm11, v45, v60;
	v53 =	vsel vm12, v46, v53  }
0x77: {  	vm15 =	vgt.f32 v49, v50;
	vm6 =	veq.f32 v49, v50;
	vm13 =	vgt.f32 v54, v51  }
0x78: {  	vm7 =	vlt.u32 v63, v53;
	vm14 =	vgt.f32 v56, v52;
	v51 =	vsel vm13, v54, v51  }
0x79: {  	v57 =	vsel vm13, v47, v61;
	v52 =	vsel vm14, v56, v52;
	v54 =	vsel vm14, v48, v62  }
0x7a: {  	vm1 =	vmand vm6, vm7;
	vm8 =	veq.f32 v51, v52;
	vm9 =	vlt.u32 v57, v54  }
0x7b: {  	vm0 =	vmor vm15, vm1;
	vm11 =	vgt.f32 v51, v52;
	vm10 =	vmand vm8, vm9  }
0x7c: {  	v49 =	vsel vm0, v49, v50;
	vm1 =	vmor vm11, vm10  }
0x7d: {  	v59 =	vsel vm0, v63, v53;
	v51 =	vsel vm1, v51, v52;
	v60 =	vsel vm1, v57, v54  }
0x7e: {  	vm12 =	veq.f32 v49, v51;
	vm1 =	vlt.u32 v59, v60  }
0x7f: {  	vm13 =	vgt.f32 v49, v51;
	vm0 =	vmand vm12, vm1  }
0x80: {  	vm0 =	vmor vm13, vm0  }
0x81: {  	v49 =	vsel vm0, v49, v51  }
0x82: {  	(xrf0) =	vmax.scan.msk.f32 $0xffff, v49;
	_ =	sdelay $0x5  }
0x83: {  	v61, _, _ =	vpop (xrf0)  }
0x84: {  	v51 =	vbroadcast v61, $0xF  }
0x85: {  	v50 =	vsel vm0, v59, v60  }
0x86: {  	v62 =	vxor.u32 $0x80000000, v50;
	vm14 =	veq.f32 v49, v51  }
0x87: {  	v49 =	vnsel vm14, $0x80000300, v62  }
0x88: {  	(xrf0) =	vmin.scan.msk.u32 $0xffff, v49;
	_ =	sdelay $0x5  }
0x89: {  	v49, _, _ =	vpop (xrf0)  }
0x8a: {  	(v2sf) =	vpush v49, $0xF;
	_ =	sdelay $0xe  }
0x8b: {  	p1 =	sne.s32 s25, $0x1F;
	s31 =	spop (v2sf)  }
.Ltmp6:
0x8c: {  	s29 =	sshll.u32 s31, $0x3;
	s30 =	sand.u32 $0xF, s31;
	(pc) =	sbr.rel @p1 .LBB2_11-.Ltmp6, $4  }
0x8d: {  	s29 =	sand.u32 $0xFFFFFC00, s29;
	v63 =	vmov s30  }
0x8e: {  	s28 =	sand.u32 $0x70, s31;
	s26 =	sadd.s32 s26, s29;
	vm15 =	veq.s32 v63, v0  }
0x8f: {  	s23 =	sadd.s32 $0x80, s23;
	s26 =	sor.u32 s28, s26;
	v49 =	vnsel vm15, $0x0, v51  }
0x90: {  	s25 =	sadd.s32 $0x1, s25;
	[smem:s24] =	sst s26;
	[tilespmem:s26+$0xC000] =	vst v49;
	s24 =	sadd.s32 $0x1, s24  }
0x91: {  	s22 =	sshrl.u32 s22, $0x3  }
0x92: {  	p1 =	seq.s32 s20, $0xF;
	s22 =	sadd.s32 s3, s22  }
0x93: {  	[hbm4b:s22+s5] =	stream.linear.scatter [tilespmem:s14], [sflag:$0x3], $0x6000, $0x38;
	[tilespmem:$0x18000] =	vst v63  }
0x94: {  	s22 =	sadd.s32 @!p1 s21, s8  }
0x95: {  	s22 =	sshrl.u32 @!p1 s22, $0x3  }
.Ltmp7:
0x96: {  	s23 =	simm.s32 @!p1 $0x0;
	s22 =	sadd.s32 @!p1 s1, s22;
	(pc) =	sbr.rel @p0 .LBB2_16-.Ltmp7, $4  }
0x97: {  	[tilespmem:s23], [sflag:$0x1] =	stream.linear.gather @!p1 [hbm4b:s22+s23], $0x6000, $0x38;
	[tilespmem:$0x18000] =	vst v63  }
0x98: {  	_ =	swait.ge [sflag:s15], $0x6000  }
0x99: {  	[sflag:s15] =	ssyncset.done $0x0  }
0x9a: {  	[sflag:s15] =	ssyncadd.s32 $0xFFFFA000  }
0x9b: {  	_ =	swait.ge [sflag:s18], $0x6000  }
0x9c: {  	[sflag:s18] =	ssyncset.done $0x0  }
0x9d: {  	[sflag:s18] =	ssyncadd.s32 $0xFFFFA000  }
0x9e: {  	s22 =	simm.s32 $0x4;
	s23 =	sld [smem:$0x80]  }
.LBB2_14:
0x9f: {  	p0 =	sne.s32 s22, $0x7C  }
.Ltmp8:
0xa0: {  	_ = 	snop;
	(pc) =	sbr.rel @p0 .LBB2_14-.Ltmp8, $4  }
0xa1: {  	_ = 	snop  }
0xa2: {  	s31 =	smov.u32 s22  }
0xa3: {  	[tilespmem:s23+$0x12000] =	vst v1;
	s23 =	sshra.s32 s31, $0x2  }
0xa4: {  	s22 =	sadd.s32 $0x4, s22;
	s23 =	sld [smem:s23+$0x80]  }
0xa5: {  	_ =	sdelay $0x1  }
0xa6: {  	[tilespmem:s23+$0x12000] =	vst v1  }
.LBB2_16:
0xa7: {  	s22 =	sadd.s32 s21, s9  }
0xa8: {  	s23 =	simm.s32 $0x80;
	s24 =	simm.s32 $0x0;
	s25 =	simm.s32 $0x0  }
.LBB2_17:
0xa9: {  	s26 =	sshrl.u32 s25, $0x3  }
0xaa: {  	s26 =	smul.u32 $0x1800, s26  }
0xab: {  	s28 =	sand.u32 $0x380, s24  }
0xac: {  	s26 =	sor.u32 s28, s26  }
0xad: {  	v49 =	vld [tilespmem:s26+$0x6000]  }
0xae: {  	v50 =	vld [tilespmem:s26+$0x6010]  }
0xaf: {  	v51 =	vld [tilespmem:s26+$0x6020]  }
0xb0: {  	v52 =	vld [tilespmem:s26+$0x6030]  }
0xb1: {  	v53 =	vld [tilespmem:s26+$0x6040]  }
0xb2: {  	v54 =	vld [tilespmem:s26+$0x6050]  }
0xb3: {  	v55 =	vld [tilespmem:s26+$0x6060]  }
0xb4: {  	v56 =	vld [tilespmem:s26+$0x6070]  }
0xb5: {  	v57 =	vld [tilespmem:s26+$0x6400];
	vm0 =	vgt.f32 v49, $-Inf  }
0xb6: {  	v58 =	vld [tilespmem:s26+$0x6410];
	vm1 =	vgt.f32 v50, $-Inf;
	vm7 =	vgt.f32 v51, $-Inf;
	v49 =	vnsel vm0, $0xFF800000, v49  }
0xb7: {  	v59 =	vld [tilespmem:s26+$0x6420];
	vm8 =	vgt.f32 v52, $-Inf;
	v50 =	vnsel vm1, $0xFF800000, v50;
	vm9 =	vgt.f32 v53, v49  }
0xb8: {  	v51 =	vnsel vm7, $0xFF800000, v51;
	vm10 =	vgt.f32 v54, v50;
	v49 =	vsel vm9, v53, v49;
	v53 =	vld [tilespmem:s26+$0x6430]  }
0xb9: {  	v52 =	vnsel vm8, $0xFF800000, v52;
	vm11 =	vgt.f32 v55, v51;
	v50 =	vsel vm10, v54, v50;
	v54 =	vld [tilespmem:s26+$0x6440]  }
0xba: {  	vm12 =	vgt.f32 v56, v52;
	v51 =	vsel vm11, v55, v51;
	v55 =	vld [tilespmem:s26+$0x6450]  }
0xbb: {  	v52 =	vsel vm12, v56, v52;
	v56 =	vld [tilespmem:s26+$0x6460];
	vm13 =	vgt.f32 v57, v49  }
0xbc: {  	v60 =	vsel vm9, v2, v0;
	vm14 =	vgt.f32 v58, v50;
	v49 =	vsel vm13, v57, v49;
	v57 =	vld [tilespmem:s26+$0x6470]  }
0xbd: {  	v61 =	vsel vm10, v4, v3;
	vm15 =	vgt.f32 v59, v51;
	v50 =	vsel vm14, v58, v50;
	v58 =	vld [tilespmem:s26+$0x6800]  }
0xbe: {  	v62 =	vsel vm11, v6, v5;
	v51 =	vsel vm15, v59, v51;
	v59 =	vld [tilespmem:s26+$0x6810];
	vm4 =	vgt.f32 v53, v52  }
0xbf: {  	v63 =	vsel vm12, v8, v7;
	vm5 =	vgt.f32 v54, v49;
	v52 =	vsel vm4, v53, v52;
	v53 =	vld [tilespmem:s26+$0x6820]  }
0xc0: {  	v60 =	vsel vm13, v9, v60;
	vm6 =	vgt.f32 v55, v50;
	v49 =	vsel vm5, v54, v49;
	v54 =	vld [tilespmem:s26+$0x6830]  }
0xc1: {  	v61 =	vsel vm14, v10, v61;
	vm7 =	vgt.f32 v56, v51;
	v50 =	vsel vm6, v55, v50;
	v55 =	vld [tilespmem:s26+$0x6840]  }
0xc2: {  	v62 =	vsel vm15, v11, v62;
	v51 =	vsel vm7, v56, v51;
	v56 =	vld [tilespmem:s26+$0x6850];
	vm8 =	vgt.f32 v57, v52  }
0xc3: {  	v63 =	vsel vm4, v12, v63;
	vm9 =	vgt.f32 v58, v49;
	v52 =	vsel vm8, v57, v52;
	v57 =	vld [tilespmem:s26+$0x6860]  }
0xc4: {  	v60 =	vsel vm5, v13, v60;
	vm10 =	vgt.f32 v59, v50;
	v49 =	vsel vm9, v58, v49;
	v58 =	vld [tilespmem:s26+$0x6870]  }
0xc5: {  	v61 =	vsel vm6, v14, v61;
	v50 =	vsel vm10, v59, v50;
	v59 =	vld [tilespmem:s26+$0x6C00];
	vm11 =	vgt.f32 v53, v51  }
0xc6: {  	v62 =	vsel vm7, v15, v62;
	vm12 =	vgt.f32 v54, v52;
	v51 =	vsel vm11, v53, v51;
	v53 =	vld [tilespmem:s26+$0x6C10]  }
0xc7: {  	v63 =	vsel vm8, v16, v63;
	vm13 =	vgt.f32 v55, v49;
	v52 =	vsel vm12, v54, v52;
	v54 =	vld [tilespmem:s26+$0x6C20]  }
0xc8: {  	v60 =	vsel vm9, v17, v60;
	vm14 =	vgt.f32 v56, v50;
	v49 =	vsel vm13, v55, v49;
	v55 =	vld [tilespmem:s26+$0x6C30]  }
0xc9: {  	v61 =	vsel vm10, v18, v61;
	v50 =	vsel vm14, v56, v50;
	v56 =	vld [tilespmem:s26+$0x6C40];
	vm15 =	vgt.f32 v57, v51  }
0xca: {  	v62 =	vsel vm11, v19, v62;
	vm4 =	vgt.f32 v58, v52;
	v51 =	vsel vm15, v57, v51;
	v57 =	vld [tilespmem:s26+$0x6C50]  }
0xcb: {  	v63 =	vsel vm12, v20, v63;
	vm5 =	vgt.f32 v59, v49;
	v52 =	vsel vm4, v58, v52;
	v58 =	vld [tilespmem:s26+$0x6C60]  }
0xcc: {  	v60 =	vsel vm13, v21, v60;
	v49 =	vsel vm5, v59, v49;
	v59 =	vld [tilespmem:s26+$0x6C70];
	vm6 =	vgt.f32 v53, v50  }
0xcd: {  	v61 =	vsel vm14, v22, v61;
	vm7 =	vgt.f32 v54, v51;
	v50 =	vsel vm6, v53, v50;
	v53 =	vld [tilespmem:s26+$0x7000]  }
0xce: {  	v62 =	vsel vm15, v23, v62;
	vm8 =	vgt.f32 v55, v52;
	v51 =	vsel vm7, v54, v51;
	v54 =	vld [tilespmem:s26+$0x7010]  }
0xcf: {  	v63 =	vsel vm4, v24, v63;
	vm9 =	vgt.f32 v56, v49;
	v52 =	vsel vm8, v55, v52;
	v55 =	vld [tilespmem:s26+$0x7020]  }
0xd0: {  	v60 =	vsel vm5, v25, v60;
	v49 =	vsel vm9, v56, v49;
	v56 =	vld [tilespmem:s26+$0x7030];
	vm10 =	vgt.f32 v57, v50  }
0xd1: {  	v61 =	vsel vm6, v26, v61;
	vm11 =	vgt.f32 v58, v51;
	v50 =	vsel vm10, v57, v50;
	v57 =	vld [tilespmem:s26+$0x7040]  }
0xd2: {  	v62 =	vsel vm7, v27, v62;
	vm12 =	vgt.f32 v59, v52;
	v51 =	vsel vm11, v58, v51;
	v58 =	vld [tilespmem:s26+$0x7050]  }
0xd3: {  	v63 =	vsel vm8, v28, v63;
	v52 =	vsel vm12, v59, v52;
	v59 =	vld [tilespmem:s26+$0x7060];
	vm13 =	vgt.f32 v53, v49  }
0xd4: {  	v60 =	vsel vm9, v29, v60;
	vm14 =	vgt.f32 v54, v50;
	v49 =	vsel vm13, v53, v49;
	v53 =	vld [tilespmem:s26+$0x7070]  }
0xd5: {  	v61 =	vsel vm10, v30, v61;
	vm15 =	vgt.f32 v55, v51;
	v50 =	vsel vm14, v54, v50;
	v54 =	vld [tilespmem:s26+$0x7400]  }
0xd6: {  	v62 =	vsel vm11, v31, v62;
	vm4 =	vgt.f32 v56, v52;
	v51 =	vsel vm15, v55, v51;
	v55 =	vld [tilespmem:s26+$0x7410]  }
0xd7: {  	v63 =	vsel vm12, v32, v63;
	v60 =	vsel vm13, v33, v60;
	v52 =	vsel vm4, v56, v52;
	v56 =	vld [tilespmem:s26+$0x7420]  }
0xd8: {  	v61 =	vsel vm14, v34, v61;
	v62 =	vsel vm15, v35, v62;
	vm5 =	vgt.f32 v57, v49  }
0xd9: {  	v63 =	vsel vm4, v36, v63;
	vm6 =	vgt.f32 v58, v50;
	v49 =	vsel vm5, v57, v49;
	v57 =	vld [tilespmem:s26+$0x7430]  }
0xda: {  	vm7 =	vgt.f32 v59, v51;
	v60 =	vsel vm5, v37, v60;
	v50 =	vsel vm6, v58, v50;
	v58 =	vld [tilespmem:s26+$0x7440]  }
0xdb: {  	v51 =	vsel vm7, v59, v51;
	v59 =	vld [tilespmem:s26+$0x7450];
	vm2 =	vgt.f32 v53, v52;
	vm3 =	vgt.f32 v54, v49  }
0xdc: {  	vm8 =	vgt.f32 v55, v50;
	vm9 =	vgt.f32 v56, v51;
	v52 =	vsel vm2, v53, v52  }
0xdd: {  	v53 =	vsel vm6, v38, v61;
	v49 =	vsel vm3, v54, v49;
	v61 =	vsel vm7, v39, v62  }
0xde: {  	v54 =	vld [tilespmem:s26+$0x7460];
	v50 =	vsel vm8, v55, v50;
	v55 =	vsel vm2, v40, v63;
	v51 =	vsel vm9, v56, v51  }
0xdf: {  	v56 =	vld [tilespmem:s26+$0x7470];
	v60 =	vsel vm3, v41, v60;
	vm10 =	vgt.f32 v57, v52;
	vm11 =	vgt.f32 v58, v49  }
0xe0: {  	v53 =	vsel vm8, v42, v53;
	v61 =	vsel vm9, v43, v61;
	vm12 =	vgt.f32 v59, v50  }
0xe1: {  	v52 =	vsel vm10, v57, v52;
	v49 =	vsel vm11, v58, v49;
	v50 =	vsel vm12, v59, v50  }
0xe2: {  	v62 =	vsel vm10, v44, v55;
	v63 =	vsel vm11, v45, v60;
	v53 =	vsel vm12, v46, v53  }
0xe3: {  	vm15 =	vgt.f32 v49, v50;
	vm6 =	veq.f32 v49, v50;
	vm13 =	vgt.f32 v54, v51  }
0xe4: {  	vm7 =	vlt.u32 v63, v53;
	vm14 =	vgt.f32 v56, v52;
	v51 =	vsel vm13, v54, v51  }
0xe5: {  	v57 =	vsel vm13, v47, v61;
	v52 =	vsel vm14, v56, v52;
	v54 =	vsel vm14, v48, v62  }
0xe6: {  	vm1 =	vmand vm6, vm7;
	vm8 =	veq.f32 v51, v52;
	vm9 =	vlt.u32 v57, v54  }
0xe7: {  	vm0 =	vmor vm15, vm1;
	vm11 =	vgt.f32 v51, v52;
	vm10 =	vmand vm8, vm9  }
0xe8: {  	v49 =	vsel vm0, v49, v50;
	vm1 =	vmor vm11, vm10  }
0xe9: {  	v59 =	vsel vm0, v63, v53;
	v51 =	vsel vm1, v51, v52;
	v60 =	vsel vm1, v57, v54  }
0xea: {  	vm12 =	veq.f32 v49, v51;
	vm1 =	vlt.u32 v59, v60  }
0xeb: {  	vm13 =	vgt.f32 v49, v51;
	vm0 =	vmand vm12, vm1  }
0xec: {  	vm0 =	vmor vm13, vm0  }
0xed: {  	v49 =	vsel vm0, v49, v51  }
0xee: {  	(xrf0) =	vmax.scan.msk.f32 $0xffff, v49;
	_ =	sdelay $0x5  }
0xef: {  	v61, _, _ =	vpop (xrf0)  }
0xf0: {  	v51 =	vbroadcast v61, $0xF  }
0xf1: {  	v50 =	vsel vm0, v59, v60  }
0xf2: {  	v62 =	vxor.u32 $0x80000000, v50;
	vm14 =	veq.f32 v49, v51  }
0xf3: {  	v49 =	vnsel vm14, $0x80000300, v62  }
0xf4: {  	(xrf0) =	vmin.scan.msk.u32 $0xffff, v49;
	_ =	sdelay $0x5  }
0xf5: {  	v49, _, _ =	vpop (xrf0)  }
0xf6: {  	(v2sf) =	vpush v49, $0xF;
	_ =	sdelay $0xe  }
0xf7: {  	p0 =	sne.s32 s25, $0x1F;
	s31 =	spop (v2sf)  }
.Ltmp9:
0xf8: {  	s29 =	sshll.u32 s31, $0x3;
	s30 =	sand.u32 $0xF, s31;
	(pc) =	sbr.rel @p0 .LBB2_17-.Ltmp9, $4  }
0xf9: {  	s29 =	sand.u32 $0xFFFFFC00, s29;
	v63 =	vmov s30  }
0xfa: {  	s28 =	sand.u32 $0x70, s31;
	s26 =	sadd.s32 s26, s29;
	vm15 =	veq.s32 v63, v0  }
0xfb: {  	s24 =	sadd.s32 $0x80, s24;
	s26 =	sor.u32 s28, s26;
	v49 =	vnsel vm15, $0x0, v51  }
0xfc: {  	s25 =	sadd.s32 $0x1, s25;
	[smem:s23] =	sst s26;
	[tilespmem:s26+$0x12000] =	vst v49;
	s23 =	sadd.s32 $0x1, s23  }
.Ltmp10:
0xfd: {  	(pc) =	sbr.rel @p1 .LBB2_20-.Ltmp10, $4  }
0xfe: {  	_ = 	snop  }
0xff: {  	s22 =	sshrl.u32 s22, $0x3  }
0x100: {  	s22 =	sadd.s32 s3, s22  }
0x101: {  	[hbm4b:s22+s5] =	stream.linear.scatter [tilespmem:s16], [sflag:$0x4], $0x6000, $0x38;
	[tilespmem:$0x18000] =	vst v63  }
.Ltmp11:
0x102: {  	(pc) =	sbr.rel .LBB2_6-.Ltmp11, $4  }
0x103: {  	s21 =	sadd.s32 s21, s10  }
0x104: {  	s21 =	sshrl.u32 s21, $0x3  }
0x105: {  	s20 =	sadd.s32 $0x1, s20;
	s21 =	sadd.s32 s1, s21  }
0x106: {  	[tilespmem:s12], [sflag:$0x2] =	stream.linear.gather [hbm4b:s21+s5], $0x6000, $0x38;
	[tilespmem:$0x18000] =	vst v63  }
.LBB2_21:
0x107: {  	_ =	sfence.sel $0x180000  }
0x108: {  	[bflag:$0x0] =	sbarrier.arrive $0xFFFF  }
0x109: {  	p0 =	sne.s32 s0, $0x0;
	_ =	strace $0x90000047  }
0x10a: {  	s0 =	sadd.s32 @!p0 $0x100000, s2;
	[bflag:$0x2] =	sbarrier.arrive $0xFFFF  }
0x10b: {  	[sflag:s0] =	ssyncadd.tile.s32 @!p0 $0x1;
	_ =	shalt  }
.Lfunc_end2:
_tile_overlayer_lowered:
.L_overlay_start_2:
0x10c: {  	(tag) =	ssettag $0x2  }
0x10d: {  	s0 =	rddreg [dreg:$0x0];
	s2 =	stileid.u32  }
0x10e: {  	s1 =	rddreg [dreg:$0x1];
	p0 =	sne.s32 s2, $0x0  }
0x10f: {  	s3 =	rddreg [dreg:$0x2];
	[bflag:$0x3] =	sbarrier.arrive $0xFFFF;
	s2 =	simm.s32 @!p0 $0x1C05  }
0x110: {  	[timem:s3], [sflag:s2] =	dma.local @!p0 [hbm:s0], s1  }
0x111: {  	s0 =	simm.s32 @!p0 $0x5  }
0x112: {  	_ =	swait.ge @!p0 [sflag:s0], s1  }
0x113: {  	s1 =	ssub.s32 @!p0 $0x0, s1;
	[sflag:s0] =	ssyncset.done @!p0 $0x0  }
0x114: {  	[sflag:s0] =	ssyncadd.s32 @!p0 s1  }
0x115: {  	[bflag:$0x3] =	sbarrier.arrive $0xFFFF  }
0x116: {  	_ =	shalt  }

</sc_bundles>
